<compile_context>
chip_gen: v7x
topology: tpu7x:2x2x1
jax: 0.10.2.dev20260603
libtpu: 0.0.44.dev20260713+nightly
codegen_flags: <defaults>
</compile_context>

<pallas_src>
import dataclasses
import functools

import jax
import jax.numpy as jnp
from jax import lax
from jax.experimental import pallas as pl
from jax.experimental.pallas import tpu as pltpu
from jax.experimental.pallas import tpu_sc as plsc

_N_NODES = 10000
_N_EDGES = 320000
_D = 128
_NC = 2
_NS = 16
_NW = _NC * _NS
_B = 32
_NBLK = 316
_EPW = _B * _NBLK
_E_PAD = _EPW * _NW
_ACC_ROWS = 10240
_ZROWS = _ACC_ROWS // _NS
_ZB = 32
_ZCH = _ZROWS // _ZB
_CNT = _ACC_ROWS // 2


def _matmul_kernel(x_ref, w_ref, o_ref):
    o_ref[...] = jnp.dot(x_ref[...], w_ref[...],
                         preferred_element_type=jnp.float32)


def _edge_mlp_kernel(e_ref, w_ref, b_ref, o_ref):
    o_ref[...] = jnp.dot(e_ref[...], w_ref[...],
                         preferred_element_type=jnp.float32) + b_ref[...]


def _count_reduce_kernel(cw_ref, o_ref):
    cw = cw_ref[...]
    low = jnp.sum(lax.bitwise_and(cw, 0xFFFF), axis=0)
    high = jnp.sum(lax.shift_right_logical(cw, 16), axis=0)
    o_ref[...] = jnp.stack([low, high], axis=1).astype(jnp.float32)


def _node_mlp_kernel(x_ref, s0_ref, s1_ref, cnt_ref, batch_ref, u_ref,
                     w2_ref, b2_ref, w3a_ref, w3b_ref, w3c_ref, b3_ref,
                     w4_ref, b4_ref, o_ref):
    s = s0_ref[...] + s1_ref[...]
    cnt = cnt_ref[...]
    meanh = s / jnp.maximum(cnt, 1.0)
    m = (jnp.dot(meanh, w2_ref[...], preferred_element_type=jnp.float32)
         + jnp.where(cnt > 0.0, 1.0, 0.0) * b2_ref[...])
    onehot = (batch_ref[...] == lax.broadcasted_iota(
        jnp.int32, (batch_ref.shape[0], 8), 1)).astype(jnp.float32)
    ug = jnp.dot(onehot,
                 jnp.dot(u_ref[...], w3c_ref[...],
                         preferred_element_type=jnp.float32),
                 preferred_element_type=jnp.float32)
    h2 = jnp.maximum(
        jnp.dot(x_ref[...], w3a_ref[...], preferred_element_type=jnp.float32)
        + jnp.dot(m, w3b_ref[...], preferred_element_type=jnp.float32)
        + ug + b3_ref[...], 0.0)
    o_ref[...] = (jnp.dot(h2, w4_ref[...], preferred_element_type=jnp.float32)
                  + b4_ref[...])


def _sc_edge_kernel(xw_hbm, rc_hbm, ea_hbm, zs_hbm, rid_hbm,
                    outs_hbm, outc_hbm,
                    ridx, rc0, rc1, rc2, rc3, gbufa, gbufb, eabufa, eabufb,
                    cnt, acc_s,
                    sga, sgb, sea, seb, ssa, ssb, si0, si1, si2, si3):
    cid = lax.axis_index("c")
    sid = lax.axis_index("s")
    wid = cid * _NS + sid

    pltpu.sync_copy(zs_hbm, gbufa)

    @pl.loop(0, _ZCH)
    def _zero(k):
        pltpu.sync_copy(rid_hbm.at[pl.ds(sid * _ZROWS + k * _ZB, _ZB)], ridx)
        pltpu.sync_copy(gbufa.at[pl.ds(0, _ZB)], acc_s.at[ridx])

    zvec = jnp.zeros((16,), jnp.int32)

    @pl.loop(0, _CNT, step=16)
    def _zcnt(k):
        cnt[pl.ds(k, 16)] = zvec

    plsc.subcore_barrier()

    blk0 = wid * _NBLK
    rcs = (rc0, rc1, rc2, rc3)
    sis = (si0, si1, si2, si3)
    gbufs = (gbufa, gbufb)
    eabufs = (eabufa, eabufb)
    sgs = (sga, sgb)
    ses = (sea, seb)
    sss = (ssa, ssb)

    def idx_start(b, slot):
        pltpu.async_copy(rc_hbm.at[blk0 + b], rcs[slot], sis[slot])

    def idx_wait(b, slot):
        pltpu.make_async_copy(rc_hbm.at[blk0 + b], rcs[slot],
                              sis[slot]).wait()

    def gather_start(b, slot, p):
        pltpu.async_copy(xw_hbm.at[rcs[slot].at[0]], gbufs[p], sgs[p])

    def gather_wait(b, slot, p):
        pltpu.make_async_copy(xw_hbm.at[rcs[slot].at[0]], gbufs[p],
                              sgs[p]).wait()

    def ea_start(b, p):
        pltpu.async_copy(ea_hbm.at[pl.ds((blk0 + b) * _B, _B)],
                         eabufs[p], ses[p])

    def ea_wait(b, p):
        pltpu.make_async_copy(ea_hbm.at[pl.ds((blk0 + b) * _B, _B)],
                              eabufs[p], ses[p]).wait()

    def scat_start(b, slot, p):
        pltpu.async_copy(eabufs[p], acc_s.at[rcs[slot].at[1]], sss[p],
                         add=True)

    def scat_wait(b, slot, p):
        pltpu.make_async_copy(eabufs[p], acc_s.at[rcs[slot].at[1]],
                              sss[p]).wait()

    pltpu.sync_copy(rc_hbm.at[blk0], rc0)
    idx_start(1, 1)
    gather_start(0, 0, 0)
    ea_start(0, 0)

    @pl.loop(0, _NBLK, step=4)
    def _blk(i):
        for k in range(4):
            b = i + k
            p = k % 2
            q = 1 - p
            slot = k
            nslot = (k + 1) % 4
            pslot = (k + 2) % 4

            @pl.when(b + 1 < _NBLK)
            def _():
                idx_wait(b + 1, nslot)
                gather_start(b + 1, nslot, q)

            @pl.when(b >= 1)
            def _():
                scat_wait(b - 1, (k + 3) % 4, q)

            @pl.when(b + 1 < _NBLK)
            def _():
                ea_start(b + 1, q)

            @pl.when(b + 2 < _NBLK)
            def _():
                idx_start(b + 2, pslot)

            gather_wait(b, slot, p)
            ea_wait(b, p)

            gbuf = gbufs[p]
            eabuf = eabufs[p]

            @pl.loop(0, _B)
            def _row(r):
                for c in range(8):
                    sl = pl.ds(c * 16, 16)
                    eabuf.at[r, sl][...] = jnp.maximum(
                        gbuf.at[r, sl][...] + eabuf.at[r, sl][...], 0.0)

            for k2 in range(_B // 16):
                cidx_v = rcs[slot].at[1, pl.ds(k2 * 16, 16)][...]
                half = lax.shift_right_logical(cidx_v, 1)
                addv = jnp.where(lax.bitwise_and(cidx_v, 1) == 1,
                                 jnp.int32(1 << 16), jnp.int32(1))
                plsc.addupdate_scatter(cnt, [half], addv)

            scat_start(b, slot, p)

    scat_wait(_NBLK - 1, (_NBLK - 1) % 4, (_NBLK - 1) % 2)
    plsc.subcore_barrier()

    @pl.loop(0, _ZCH)
    def _export(k):
        r = sid * _ZROWS + k * _ZB
        pltpu.sync_copy(rid_hbm.at[pl.ds(r, _ZB)], ridx)
        pltpu.sync_copy(acc_s.at[ridx], gbufa.at[pl.ds(0, _ZB)])
        pltpu.sync_copy(gbufa.at[pl.ds(0, _ZB)],
                        outs_hbm.at[pl.ds(cid * _ACC_ROWS + r, _ZB)])

    pltpu.sync_copy(cnt, outc_hbm.at[wid])


def _sc_edge_aggregate(xw, row, col, ea, zs):
    mesh = plsc.VectorSubcoreMesh(core_axis_name="c", subcore_axis_name="s")
    cp = pltpu.CompilerParams()
    if "needs_layout_passes" in pltpu.CompilerParams.__dataclass_fields__:
        cp = dataclasses.replace(cp, needs_layout_passes=False)
    f = pl.kernel(
        _sc_edge_kernel,
        compiler_params=cp,
        out_type=(jax.ShapeDtypeStruct((_NC * _ACC_ROWS, _D), jnp.float32),
                  jax.ShapeDtypeStruct((_NW, _CNT), jnp.int32)),
        mesh=mesh,
        scratch_types=[
            pltpu.VMEM((_ZB,), jnp.int32),
            pltpu.VMEM((2, _B), jnp.int32),
            pltpu.VMEM((2, _B), jnp.int32),
            pltpu.VMEM((2, _B), jnp.int32),
            pltpu.VMEM((2, _B), jnp.int32),
            pltpu.VMEM((_B, _D), jnp.float32),
            pltpu.VMEM((_B, _D), jnp.float32),
            pltpu.VMEM((_B, _D), jnp.float32),
            pltpu.VMEM((_B, _D), jnp.float32),
            pltpu.VMEM((_CNT,), jnp.int32),
            pltpu.VMEM_SHARED((_ACC_ROWS, _D), jnp.float32),
            pltpu.SemaphoreType.DMA,
            pltpu.SemaphoreType.DMA,
            pltpu.SemaphoreType.DMA,
            pltpu.SemaphoreType.DMA,
            pltpu.SemaphoreType.DMA,
            pltpu.SemaphoreType.DMA,
            pltpu.SemaphoreType.DMA,
            pltpu.SemaphoreType.DMA,
            pltpu.SemaphoreType.DMA,
            pltpu.SemaphoreType.DMA,
        ],
    )
    rc = jnp.stack([row, col], axis=0).reshape(
        2, _NW * _NBLK, _B).transpose(1, 0, 2)
    rid = jnp.arange(_ACC_ROWS, dtype=jnp.int32)
    return f(xw, rc, ea, zs, rid)


def kernel(x, edge_index, edge_attr, u, batch, W1, b1, W2, b2, W3, b3, W4, b4):
    npad = _E_PAD - _N_EDGES
    row = jnp.concatenate([edge_index[0].astype(jnp.int32),
                           jnp.zeros((npad,), jnp.int32)])
    col = jnp.concatenate([edge_index[1].astype(jnp.int32),
                           _N_NODES + (jnp.arange(npad, dtype=jnp.int32)
                                       % (_ACC_ROWS - _N_NODES))])
    eattr = jnp.concatenate([edge_attr,
                             jnp.zeros((npad, edge_attr.shape[1]),
                                       jnp.float32)])
    W1a = W1[:_D]
    W1b = W1[_D:]
    W3a = W3[:_D]
    W3b = W3[_D:2 * _D]
    W3c = W3[2 * _D:]

    xw = pl.pallas_call(
        _matmul_kernel,
        out_shape=jax.ShapeDtypeStruct((_N_NODES, _D), jnp.float32),
        grid=(5,),
        in_specs=[pl.BlockSpec((2000, _D), lambda i: (i, 0)),
                  pl.BlockSpec((_D, _D), lambda i: (0, 0))],
        out_specs=pl.BlockSpec((2000, _D), lambda i: (i, 0)),
    )(x, W1a)

    ea = pl.pallas_call(
        _edge_mlp_kernel,
        out_shape=jax.ShapeDtypeStruct((_E_PAD, _D), jnp.float32),
        grid=(_E_PAD // 2048,),
        in_specs=[pl.BlockSpec((2048, 16), lambda i: (i, 0)),
                  pl.BlockSpec((16, _D), lambda i: (0, 0)),
                  pl.BlockSpec((1, _D), lambda i: (0, 0))],
        out_specs=pl.BlockSpec((2048, _D), lambda i: (i, 0)),
    )(eattr, W1b, b1.reshape(1, _D))

    zs = jnp.zeros((_B, _D), jnp.float32)

    s2, cw = _sc_edge_aggregate(xw, row, col, ea, zs)
    s0 = s2[:_N_NODES]
    s1 = s2[_ACC_ROWS:_ACC_ROWS + _N_NODES]

    cnt = pl.pallas_call(
        _count_reduce_kernel,
        out_shape=jax.ShapeDtypeStruct((_CNT, 2), jnp.float32),
        grid=(_CNT // 1024,),
        in_specs=[pl.BlockSpec((_NW, 1024), lambda i: (0, i))],
        out_specs=pl.BlockSpec((1024, 2), lambda i: (i, 0)),
    )(cw).reshape(_ACC_ROWS, 1)[:_N_NODES]

    out = pl.pallas_call(
        _node_mlp_kernel,
        out_shape=jax.ShapeDtypeStruct((_N_NODES, 128), jnp.float32),
        grid=(5,),
        in_specs=[
            pl.BlockSpec((2000, _D), lambda i: (i, 0)),
            pl.BlockSpec((2000, _D), lambda i: (i, 0)),
            pl.BlockSpec((2000, _D), lambda i: (i, 0)),
            pl.BlockSpec((2000, 1), lambda i: (i, 0)),
            pl.BlockSpec((2000, 1), lambda i: (i, 0)),
            pl.BlockSpec((8, 16), lambda i: (0, 0)),
            pl.BlockSpec((_D, _D), lambda i: (0, 0)),
            pl.BlockSpec((1, _D), lambda i: (0, 0)),
            pl.BlockSpec((_D, _D), lambda i: (0, 0)),
            pl.BlockSpec((_D, _D), lambda i: (0, 0)),
            pl.BlockSpec((16, _D), lambda i: (0, 0)),
            pl.BlockSpec((1, _D), lambda i: (0, 0)),
            pl.BlockSpec((_D, 128), lambda i: (0, 0)),
            pl.BlockSpec((1, 128), lambda i: (0, 0)),
        ],
        out_specs=pl.BlockSpec((2000, 128), lambda i: (i, 0)),
    )(x, s0, s1, cnt, batch.astype(jnp.int32).reshape(_N_NODES, 1), u,
      W2, b2.reshape(1, _D), W3a, W3b, W3c, b3.reshape(1, _D),
      W4, b4.reshape(1, 128))
    return out

# --- scband reference (transcript-rebuilt; emitter-appended) ---
"""Pipeline reference for scband-node-model-17497696764457 (READ-ONLY COPY).

The authoritative reference and input builder live on the scoring server;
editing this copy changes nothing except your own understanding.
"""

import jax, jax.numpy as jnp
import numpy as np

N_NODES = 10000
N_EDGES = 320000
D_NODE = 128
D_EDGE = 16
D_GLOBAL = 16
HIDDEN = 128
N_TARGETS = 128
N_GRAPHS = 8


def setup_inputs(seed: int = 0) -> dict:
    key = jax.random.key(seed)
    ks = jax.random.split(key, 16)
    x = jax.random.normal(ks[0], (N_NODES, D_NODE), dtype=jnp.float32)
    edge_index = jax.random.randint(ks[1], (2, N_EDGES), 0, N_NODES, dtype=jnp.int64)
    edge_attr = jax.random.normal(ks[2], (N_EDGES, D_EDGE), dtype=jnp.float32)
    u = jax.random.normal(ks[3], (N_GRAPHS, D_GLOBAL), dtype=jnp.float32)
    batch = jnp.sort(jax.random.randint(ks[4], (N_NODES,), 0, N_GRAPHS, dtype=jnp.int64))
    in1 = D_NODE + D_EDGE
    in2 = D_NODE + HIDDEN + D_GLOBAL
    W1 = jax.random.normal(ks[5], (in1, HIDDEN), dtype=jnp.float32) / np.sqrt(in1)
    b1 = jnp.zeros((HIDDEN,), dtype=jnp.float32)
    W2 = jax.random.normal(ks[6], (HIDDEN, HIDDEN), dtype=jnp.float32) / np.sqrt(HIDDEN)
    b2 = jnp.zeros((HIDDEN,), dtype=jnp.float32)
    W3 = jax.random.normal(ks[7], (in2, HIDDEN), dtype=jnp.float32) / np.sqrt(in2)
    b3 = jnp.zeros((HIDDEN,), dtype=jnp.float32)
    W4 = jax.random.normal(ks[8], (HIDDEN, N_TARGETS), dtype=jnp.float32) / np.sqrt(HIDDEN)
    b4 = jnp.zeros((N_TARGETS,), dtype=jnp.float32)
    return {"x": x, "edge_index": edge_index, "edge_attr": edge_attr, "u": u, "batch": batch,
            "W1": W1, "b1": b1, "W2": W2, "b2": b2, "W3": W3, "b3": b3, "W4": W4, "b4": b4}


def reference(x, edge_index, edge_attr, u, batch, W1, b1, W2, b2, W3, b3, W4, b4):
    row = edge_index[0]
    col = edge_index[1]
    # node_mlp_1 over concatenated source-node features and edge features
    out = jnp.concatenate([jnp.take(x, row, axis=0), edge_attr], axis=1)
    out = jnp.maximum(out @ W1 + b1, 0.0)
    out = out @ W2 + b2
    # scatter_mean over destination nodes
    summed = jax.ops.segment_sum(out, col, num_segments=x.shape[0])
    counts = jax.ops.segment_sum(jnp.ones((col.shape[0],), dtype=x.dtype), col, num_segments=x.shape[0])
    mean = summed / jnp.maximum(counts, 1.0)[:, None]
    # node_mlp_2 with global features gathered per node
    out2 = jnp.concatenate([x, mean, jnp.take(u, batch, axis=0)], axis=1)
    out2 = jnp.maximum(out2 @ W3 + b3, 0.0)
    return out2 @ W4 + b4

if __name__ == "__main__":
    import jax
    _d = setup_inputs()
    print(jax.jit(kernel)(*tuple(_d.values())))

</pallas_src>

<mosaic_0001>
#map = affine_map<(d0, d1) -> (0, 0)>
#map1 = affine_map<(d0, d1) -> (0, 0, 0)>
#map2 = affine_map<(d0, d1) -> (0)>
module attributes {stable_mosaic.version = 14 : i64} {
  func.func @_sc_edge_kernel(%arg0: i32, %arg1: i32, %arg2: memref<10000x128xf32, #tpu.memory_space<hbm>>, %arg3: memref<10112x2x32xi32, #tpu.memory_space<hbm>>, %arg4: memref<323584x128xf32, #tpu.memory_space<hbm>>, %arg5: memref<32x128xf32, #tpu.memory_space<hbm>>, %arg6: memref<10240xi32, #tpu.memory_space<hbm>>, %arg7: memref<20480x128xf32, #tpu.memory_space<hbm>>, %arg8: memref<32x5120xi32, #tpu.memory_space<hbm>>, %arg9: memref<32xi32, #tpu.memory_space<vmem>>, %arg10: memref<2x32xi32, #tpu.memory_space<vmem>>, %arg11: memref<2x32xi32, #tpu.memory_space<vmem>>, %arg12: memref<2x32xi32, #tpu.memory_space<vmem>>, %arg13: memref<2x32xi32, #tpu.memory_space<vmem>>, %arg14: memref<32x128xf32, #tpu.memory_space<vmem>>, %arg15: memref<32x128xf32, #tpu.memory_space<vmem>>, %arg16: memref<32x128xf32, #tpu.memory_space<vmem>>, %arg17: memref<32x128xf32, #tpu.memory_space<vmem>>, %arg18: memref<5120xi32, #tpu.memory_space<vmem>>, %arg19: memref<10240x128xf32, #tpu.memory_space<vmem_shared>>, %arg20: memref<!tpu.dma_semaphore, #tpu.memory_space<semaphore_mem>>, %arg21: memref<!tpu.dma_semaphore, #tpu.memory_space<semaphore_mem>>, %arg22: memref<!tpu.dma_semaphore, #tpu.memory_space<semaphore_mem>>, %arg23: memref<!tpu.dma_semaphore, #tpu.memory_space<semaphore_mem>>, %arg24: memref<!tpu.dma_semaphore, #tpu.memory_space<semaphore_mem>>, %arg25: memref<!tpu.dma_semaphore, #tpu.memory_space<semaphore_mem>>, %arg26: memref<!tpu.dma_semaphore, #tpu.memory_space<semaphore_mem>>, %arg27: memref<!tpu.dma_semaphore, #tpu.memory_space<semaphore_mem>>, %arg28: memref<!tpu.dma_semaphore, #tpu.memory_space<semaphore_mem>>, %arg29: memref<!tpu.dma_semaphore, #tpu.memory_space<semaphore_mem>>) attributes {dimension_semantics = [#tpu.dimension_semantics<core_parallel>, #tpu.dimension_semantics<subcore_parallel>], iteration_bounds = array<i64: 2, 16>, scalar_prefetch = 0 : i64, scratch_operands = 21 : i64, tpu.core_type = #tpu.core_type<sc_vector_subcore>, window_params = [{transform_indices = #map}, {transform_indices = #map1}, {transform_indices = #map}, {transform_indices = #map}, {transform_indices = #map2}, {transform_indices = #map}, {transform_indices = #map}]} {
    %mul3A = arith.constant 16 : i32
    %mul3A_0 = arith.muli %arg0, %mul3A : i32
    %add3A = arith.addi %mul3A_0, %arg1 : i32
    "tpu.region"() ({
      %run_scoped3A = tpu.sem_alloc : memref<!tpu.dma_semaphore, #tpu.memory_space<semaphore_mem>>
      tpu.enqueue_dma source(%arg5 : memref<32x128xf32, #tpu.memory_space<hbm>>) target(%arg14 : memref<32x128xf32, #tpu.memory_space<vmem>>) target_semaphore(%run_scoped3A : memref<!tpu.dma_semaphore, #tpu.memory_space<semaphore_mem>>)
      tpu.wait_dma2 semaphore(%run_scoped3A : memref<!tpu.dma_semaphore, #tpu.memory_space<semaphore_mem>>) src(%arg5 : memref<32x128xf32, #tpu.memory_space<hbm>>) dst(%arg14 : memref<32x128xf32, #tpu.memory_space<vmem>>)
      tpu.yield
    }) : () -> ()
    %scan3A = arith.constant 0 : i32
    %scan3A_1 = arith.constant 20 : i32
    %scan3A_2 = arith.addi %scan3A, %scan3A_1 : i32
    %scan3A_3 = arith.constant 1 : i32
    scf.for %scan3A_54 = %scan3A to %scan3A_2 step %scan3A_3  : i32 {
      %mul3A_55 = arith.constant 1 : i32
      %mul3A_56 = arith.muli %scan3A_54, %mul3A_55 : i32
      %add3A_57 = arith.constant 0 : i32
      %add3A_58 = arith.addi %add3A_57, %mul3A_56 : i32
      %mul3A_59 = arith.constant 640 : i32
      %mul3A_60 = arith.muli %arg1, %mul3A_59 : i32
      %mul3A_61 = arith.constant 32 : i32
      %mul3A_62 = arith.muli %add3A_58, %mul3A_61 : i32
      %add3A_63 = arith.addi %mul3A_60, %mul3A_62 : i32
      "tpu.region"() ({
        %run_scoped3A = tpu.sem_alloc : memref<!tpu.dma_semaphore, #tpu.memory_space<semaphore_mem>>
        %dma_start3A_64 = tpu.memref_slice %arg6[%add3A_63] : memref<10240xi32, #tpu.memory_space<hbm>> -> memref<32xi32, #tpu.memory_space<hbm>>
        %dma_start3A_65 = tpu.memref_slice %arg6[%add3A_63] : memref<10240xi32, #tpu.memory_space<hbm>> -> memref<32xi32, #tpu.memory_space<hbm>>
        tpu.enqueue_dma source(%dma_start3A_65 : memref<32xi32, #tpu.memory_space<hbm>>) target(%arg9 : memref<32xi32, #tpu.memory_space<vmem>>) target_semaphore(%run_scoped3A : memref<!tpu.dma_semaphore, #tpu.memory_space<semaphore_mem>>)
        %dma_wait3A_66 = tpu.memref_slice %arg6[%add3A_63] : memref<10240xi32, #tpu.memory_space<hbm>> -> memref<32xi32, #tpu.memory_space<hbm>>
        %dma_wait3A_67 = tpu.memref_slice %arg6[%add3A_63] : memref<10240xi32, #tpu.memory_space<hbm>> -> memref<32xi32, #tpu.memory_space<hbm>>
        tpu.wait_dma2 semaphore(%run_scoped3A : memref<!tpu.dma_semaphore, #tpu.memory_space<semaphore_mem>>) src(%dma_wait3A_67 : memref<32xi32, #tpu.memory_space<hbm>>) dst(%arg9 : memref<32xi32, #tpu.memory_space<vmem>>)
        tpu.yield
      }) : () -> ()
      "tpu.region"() ({
        %run_scoped3A = tpu.sem_alloc : memref<!tpu.dma_semaphore, #tpu.memory_space<semaphore_mem>>
        %dma_start3A_64 = arith.constant 0 : i32
        %dma_start3A_65 = arith.constant 0 : i32
        %dma_start3A_66 = tpu.memref_slice %arg14[%dma_start3A_64, %dma_start3A_65] : memref<32x128xf32, #tpu.memory_space<vmem>> -> memref<32x128xf32, #tpu.memory_space<vmem>>
        %dma_start3A_67 = arith.constant 0 : i32
        %dma_start3A_68 = arith.constant 0 : i32
        %dma_start3A_69 = tpu.memref_slice %arg19[%dma_start3A_67, %dma_start3A_68] : memref<10240x128xf32, #tpu.memory_space<vmem_shared>> -> memref<10240x128xf32, #tpu.memory_space<vmem_shared>>
        tpu.enqueue_indirect_dma source(%dma_start3A_66 : memref<32x128xf32, #tpu.memory_space<vmem>>) target(%dma_start3A_69 : memref<10240x128xf32, #tpu.memory_space<vmem_shared>>) offsets(%arg9 : memref<32xi32, #tpu.memory_space<vmem>>) semaphore(%run_scoped3A : memref<!tpu.dma_semaphore, #tpu.memory_space<semaphore_mem>>)
        %dma_wait3A_70 = arith.constant 0 : i32
        %dma_wait3A_71 = arith.constant 0 : i32
        %dma_wait3A_72 = tpu.memref_slice %arg14[%dma_wait3A_70, %dma_wait3A_71] : memref<32x128xf32, #tpu.memory_space<vmem>> -> memref<32x128xf32, #tpu.memory_space<vmem>>
        %dma_wait3A_73 = arith.constant 0 : i32
        %dma_wait3A_74 = arith.constant 0 : i32
        %dma_wait3A_75 = tpu.memref_slice %arg19[%dma_wait3A_73, %dma_wait3A_74] : memref<10240x128xf32, #tpu.memory_space<vmem_shared>> -> memref<10240x128xf32, #tpu.memory_space<vmem_shared>>
        tpu.wait_indirect_dma semaphore(%run_scoped3A : memref<!tpu.dma_semaphore, #tpu.memory_space<semaphore_mem>>) src(%dma_wait3A_72 : memref<32x128xf32, #tpu.memory_space<vmem>>) dst(%dma_wait3A_75 : memref<10240x128xf32, #tpu.memory_space<vmem_shared>>)
        tpu.yield
      }) : () -> ()
    }
    %scan3A_4 = arith.constant 20 : i32
    %broadcast_in_dim3A = arith.constant 0 : i32
    %broadcast_in_dim3A_5 = vector.broadcast %broadcast_in_dim3A : i32 to vector<16xi32>
    %scan3A_6 = arith.constant 0 : i32
    %scan3A_7 = arith.constant 320 : i32
    %scan3A_8 = arith.addi %scan3A_6, %scan3A_7 : i32
    %scan3A_9 = arith.constant 1 : i32
    scf.for %scan3A_54 = %scan3A_6 to %scan3A_8 step %scan3A_9  : i32 {
      %mul3A_55 = arith.constant 16 : i32
      %mul3A_56 = arith.muli %scan3A_54, %mul3A_55 : i32
      %add3A_57 = arith.constant 0 : i32
      %add3A_58 = arith.addi %add3A_57, %mul3A_56 : i32
      %swap3A = arith.index_cast %add3A_58 : i32 to index
      %swap3A_59 = tpu.vector_load %arg18[%swap3A] {strides = array<i32>} : memref<5120xi32, #tpu.memory_space<vmem>>, vector<16xi32>,
      tpu.vector_store %arg18[%swap3A], %broadcast_in_dim3A_5 {strides = array<i32>} : memref<5120xi32, #tpu.memory_space<vmem>>, vector<16xi32>,
    }
    %scan3A_10 = arith.constant 320 : i32
    %barrier3A = arith.constant 0 : index
    tpu.barrier barrier_id(%barrier3A)
    %mul3A_11 = arith.constant 316 : i32
    %mul3A_12 = arith.muli %add3A, %mul3A_11 : i32
    "tpu.region"() ({
      %run_scoped3A = tpu.sem_alloc : memref<!tpu.dma_semaphore, #tpu.memory_space<semaphore_mem>>
      %dma_start3A_54 = arith.constant 0 : i32
      %dma_start3A_55 = arith.constant 0 : i32
      %dma_start3A_56 = tpu.memref_slice %arg3[%mul3A_12, %dma_start3A_54, %dma_start3A_55] : memref<10112x2x32xi32, #tpu.memory_space<hbm>> -> memref<1x2x32xi32, #tpu.memory_space<hbm>>
      %dma_start3A_57 = tpu.memref_squeeze %dma_start3A_56 : memref<1x2x32xi32, #tpu.memory_space<hbm>> -> memref<2x32xi32, #tpu.memory_space<hbm>>
      %dma_start3A_58 = arith.constant 0 : i32
      %dma_start3A_59 = arith.constant 0 : i32
      %dma_start3A_60 = tpu.memref_slice %arg3[%mul3A_12, %dma_start3A_58, %dma_start3A_59] : memref<10112x2x32xi32, #tpu.memory_space<hbm>> -> memref<1x2x32xi32, #tpu.memory_space<hbm>>
      %dma_start3A_61 = tpu.memref_squeeze %dma_start3A_60 : memref<1x2x32xi32, #tpu.memory_space<hbm>> -> memref<2x32xi32, #tpu.memory_space<hbm>>
      tpu.enqueue_dma source(%dma_start3A_61 : memref<2x32xi32, #tpu.memory_space<hbm>>) target(%arg10 : memref<2x32xi32, #tpu.memory_space<vmem>>) target_semaphore(%run_scoped3A : memref<!tpu.dma_semaphore, #tpu.memory_space<semaphore_mem>>)
      %dma_wait3A_62 = arith.constant 0 : i32
      %dma_wait3A_63 = arith.constant 0 : i32
      %dma_wait3A_64 = tpu.memref_slice %arg3[%mul3A_12, %dma_wait3A_62, %dma_wait3A_63] : memref<10112x2x32xi32, #tpu.memory_space<hbm>> -> memref<1x2x32xi32, #tpu.memory_space<hbm>>
      %dma_wait3A_65 = tpu.memref_squeeze %dma_wait3A_64 : memref<1x2x32xi32, #tpu.memory_space<hbm>> -> memref<2x32xi32, #tpu.memory_space<hbm>>
      %dma_wait3A_66 = arith.constant 0 : i32
      %dma_wait3A_67 = arith.constant 0 : i32
      %dma_wait3A_68 = tpu.memref_slice %arg3[%mul3A_12, %dma_wait3A_66, %dma_wait3A_67] : memref<10112x2x32xi32, #tpu.memory_space<hbm>> -> memref<1x2x32xi32, #tpu.memory_space<hbm>>
      %dma_wait3A_69 = tpu.memref_squeeze %dma_wait3A_68 : memref<1x2x32xi32, #tpu.memory_space<hbm>> -> memref<2x32xi32, #tpu.memory_space<hbm>>
      tpu.wait_dma2 semaphore(%run_scoped3A : memref<!tpu.dma_semaphore, #tpu.memory_space<semaphore_mem>>) src(%dma_wait3A_69 : memref<2x32xi32, #tpu.memory_space<hbm>>) dst(%arg10 : memref<2x32xi32, #tpu.memory_space<vmem>>)
      tpu.yield
    }) : () -> ()
    %add3A_13 = arith.constant 1 : i32
    %add3A_14 = arith.addi %mul3A_12, %add3A_13 : i32
    %dma_start3A = arith.constant 0 : i32
    %dma_start3A_15 = arith.constant 0 : i32
    %dma_start3A_16 = tpu.memref_slice %arg3[%add3A_14, %dma_start3A, %dma_start3A_15] : memref<10112x2x32xi32, #tpu.memory_space<hbm>> -> memref<1x2x32xi32, #tpu.memory_space<hbm>>
    %dma_start3A_17 = tpu.memref_squeeze %dma_start3A_16 : memref<1x2x32xi32, #tpu.memory_space<hbm>> -> memref<2x32xi32, #tpu.memory_space<hbm>>
    %dma_start3A_18 = arith.constant 0 : i32
    %dma_start3A_19 = arith.constant 0 : i32
    %dma_start3A_20 = tpu.memref_slice %arg3[%add3A_14, %dma_start3A_18, %dma_start3A_19] : memref<10112x2x32xi32, #tpu.memory_space<hbm>> -> memref<1x2x32xi32, #tpu.memory_space<hbm>>
    %dma_start3A_21 = tpu.memref_squeeze %dma_start3A_20 : memref<1x2x32xi32, #tpu.memory_space<hbm>> -> memref<2x32xi32, #tpu.memory_space<hbm>>
    tpu.enqueue_dma source(%dma_start3A_21 : memref<2x32xi32, #tpu.memory_space<hbm>>) target(%arg11 : memref<2x32xi32, #tpu.memory_space<vmem>>) target_semaphore(%arg27 : memref<!tpu.dma_semaphore, #tpu.memory_space<semaphore_mem>>)
    %dma_start3A_22 = arith.constant 0 : i32
    %dma_start3A_23 = arith.constant 0 : i32
    %dma_start3A_24 = tpu.memref_slice %arg10[%dma_start3A_22, %dma_start3A_23] : memref<2x32xi32, #tpu.memory_space<vmem>> -> memref<1x32xi32, #tpu.memory_space<vmem>>
    %dma_start3A_25 = tpu.memref_squeeze %dma_start3A_24 : memref<1x32xi32, #tpu.memory_space<vmem>> -> memref<32xi32, #tpu.memory_space<vmem>>
    %dma_start3A_26 = arith.constant 0 : i32
    %dma_start3A_27 = arith.constant 0 : i32
    %dma_start3A_28 = tpu.memref_slice %arg2[%dma_start3A_26, %dma_start3A_27] : memref<10000x128xf32, #tpu.memory_space<hbm>> -> memref<10000x128xf32, #tpu.memory_space<hbm>>
    tpu.enqueue_indirect_dma source(%dma_start3A_28 : memref<10000x128xf32, #tpu.memory_space<hbm>>) target(%arg14 : memref<32x128xf32, #tpu.memory_space<vmem>>) offsets(%dma_start3A_25 : memref<32xi32, #tpu.memory_space<vmem>>) semaphore(%arg20 : memref<!tpu.dma_semaphore, #tpu.memory_space<semaphore_mem>>)
    %add3A_29 = arith.constant 0 : i32
    %add3A_30 = arith.addi %mul3A_12, %add3A_29 : i32
    %mul3A_31 = arith.constant 32 : i32
    %mul3A_32 = arith.muli %add3A_30, %mul3A_31 : i32
    %dma_start3A_33 = arith.constant 0 : i32
    %dma_start3A_34 = tpu.memref_slice %arg4[%mul3A_32, %dma_start3A_33] : memref<323584x128xf32, #tpu.memory_space<hbm>> -> memref<32x128xf32, #tpu.memory_space<hbm>>
    %dma_start3A_35 = arith.constant 0 : i32
    %dma_start3A_36 = tpu.memref_slice %arg4[%mul3A_32, %dma_start3A_35] : memref<323584x128xf32, #tpu.memory_space<hbm>> -> memref<32x128xf32, #tpu.memory_space<hbm>>
    tpu.enqueue_dma source(%dma_start3A_36 : memref<32x128xf32, #tpu.memory_space<hbm>>) target(%arg16 : memref<32x128xf32, #tpu.memory_space<vmem>>) target_semaphore(%arg22 : memref<!tpu.dma_semaphore, #tpu.memory_space<semaphore_mem>>)
    %scan3A_37 = arith.constant 0 : i32
    %scan3A_38 = arith.constant 79 : i32
    %scan3A_39 = arith.addi %scan3A_37, %scan3A_38 : i32
    %scan3A_40 = arith.constant 1 : i32
    scf.for %scan3A_54 = %scan3A_37 to %scan3A_39 step %scan3A_40  : i32 {
      %mul3A_55 = arith.constant 4 : i32
      %mul3A_56 = arith.muli %scan3A_54, %mul3A_55 : i32
      %add3A_57 = arith.constant 0 : i32
      %add3A_58 = arith.addi %add3A_57, %mul3A_56 : i32
      %add3A_59 = arith.constant 0 : i32
      %add3A_60 = arith.addi %add3A_58, %add3A_59 : i32
      %add3A_61 = arith.constant 1 : i32
      %add3A_62 = arith.addi %add3A_60, %add3A_61 : i32
      %lt3A = arith.constant 316 : i32
      %lt3A_63 = arith.cmpi slt, %add3A_62, %lt3A : i32
      %convert_element_type3A = arith.extui %lt3A_63 : i1 to i32
      %cond3A = arith.constant 0 : i32
      %cond3A_64 = arith.cmpi ne, %convert_element_type3A, %cond3A : i32
      scf.if %cond3A_64 {
        %add3A_409 = arith.constant 1 : i32
        %add3A_410 = arith.addi %add3A_60, %add3A_409 : i32
        %add3A_411 = arith.addi %mul3A_12, %add3A_410 : i32
        %dma_wait3A_412 = arith.constant 0 : i32
        %dma_wait3A_413 = arith.constant 0 : i32
        %dma_wait3A_414 = tpu.memref_slice %arg3[%add3A_411, %dma_wait3A_412, %dma_wait3A_413] : memref<10112x2x32xi32, #tpu.memory_space<hbm>> -> memref<1x2x32xi32, #tpu.memory_space<hbm>>
        %dma_wait3A_415 = tpu.memref_squeeze %dma_wait3A_414 : memref<1x2x32xi32, #tpu.memory_space<hbm>> -> memref<2x32xi32, #tpu.memory_space<hbm>>
        %dma_wait3A_416 = arith.constant 0 : i32
        %dma_wait3A_417 = arith.constant 0 : i32
        %dma_wait3A_418 = tpu.memref_slice %arg3[%add3A_411, %dma_wait3A_416, %dma_wait3A_417] : memref<10112x2x32xi32, #tpu.memory_space<hbm>> -> memref<1x2x32xi32, #tpu.memory_space<hbm>>
        %dma_wait3A_419 = tpu.memref_squeeze %dma_wait3A_418 : memref<1x2x32xi32, #tpu.memory_space<hbm>> -> memref<2x32xi32, #tpu.memory_space<hbm>>
        tpu.wait_dma2 semaphore(%arg27 : memref<!tpu.dma_semaphore, #tpu.memory_space<semaphore_mem>>) src(%dma_wait3A_419 : memref<2x32xi32, #tpu.memory_space<hbm>>) dst(%arg11 : memref<2x32xi32, #tpu.memory_space<vmem>>)
        %add3A_420 = arith.constant 1 : i32
        %add3A_421 = arith.addi %add3A_60, %add3A_420 : i32
        %dma_start3A_422 = arith.constant 0 : i32
        %dma_start3A_423 = arith.constant 0 : i32
        %dma_start3A_424 = tpu.memref_slice %arg11[%dma_start3A_422, %dma_start3A_423] : memref<2x32xi32, #tpu.memory_space<vmem>> -> memref<1x32xi32, #tpu.memory_space<vmem>>
        %dma_start3A_425 = tpu.memref_squeeze %dma_start3A_424 : memref<1x32xi32, #tpu.memory_space<vmem>> -> memref<32xi32, #tpu.memory_space<vmem>>
        %dma_start3A_426 = arith.constant 0 : i32
        %dma_start3A_427 = arith.constant 0 : i32
        %dma_start3A_428 = tpu.memref_slice %arg2[%dma_start3A_426, %dma_start3A_427] : memref<10000x128xf32, #tpu.memory_space<hbm>> -> memref<10000x128xf32, #tpu.memory_space<hbm>>
        tpu.enqueue_indirect_dma source(%dma_start3A_428 : memref<10000x128xf32, #tpu.memory_space<hbm>>) target(%arg15 : memref<32x128xf32, #tpu.memory_space<vmem>>) offsets(%dma_start3A_425 : memref<32xi32, #tpu.memory_space<vmem>>) semaphore(%arg21 : memref<!tpu.dma_semaphore, #tpu.memory_space<semaphore_mem>>)
      } else {
      }
      %ge3A = arith.constant 1 : i32
      %ge3A_65 = arith.cmpi sge, %add3A_60, %ge3A : i32
      %convert_element_type3A_66 = arith.extui %ge3A_65 : i1 to i32
      %cond3A_67 = arith.constant 0 : i32
      %cond3A_68 = arith.cmpi ne, %convert_element_type3A_66, %cond3A_67 : i32
      scf.if %cond3A_68 {
        %sub3A = arith.constant 1 : i32
        %sub3A_409 = arith.subi %add3A_60, %sub3A : i32
        %dma_wait3A_410 = arith.constant 1 : i32
        %dma_wait3A_411 = arith.constant 0 : i32
        %dma_wait3A_412 = tpu.memref_slice %arg13[%dma_wait3A_410, %dma_wait3A_411] : memref<2x32xi32, #tpu.memory_space<vmem>> -> memref<1x32xi32, #tpu.memory_space<vmem>>
        %dma_wait3A_413 = tpu.memref_squeeze %dma_wait3A_412 : memref<1x32xi32, #tpu.memory_space<vmem>> -> memref<32xi32, #tpu.memory_space<vmem>>
        %dma_wait3A_414 = arith.constant 0 : i32
        %dma_wait3A_415 = arith.constant 0 : i32
        %dma_wait3A_416 = tpu.memref_slice %arg19[%dma_wait3A_414, %dma_wait3A_415] : memref<10240x128xf32, #tpu.memory_space<vmem_shared>> -> memref<10240x128xf32, #tpu.memory_space<vmem_shared>>
        tpu.wait_indirect_dma semaphore(%arg25 : memref<!tpu.dma_semaphore, #tpu.memory_space<semaphore_mem>>) src(%arg17 : memref<32x128xf32, #tpu.memory_space<vmem>>) dst(%dma_wait3A_416 : memref<10240x128xf32, #tpu.memory_space<vmem_shared>>)
      } else {
      }
      %add3A_69 = arith.constant 1 : i32
      %add3A_70 = arith.addi %add3A_60, %add3A_69 : i32
      %lt3A_71 = arith.constant 316 : i32
      %lt3A_72 = arith.cmpi slt, %add3A_70, %lt3A_71 : i32
      %convert_element_type3A_73 = arith.extui %lt3A_72 : i1 to i32
      %cond3A_74 = arith.constant 0 : i32
      %cond3A_75 = arith.cmpi ne, %convert_element_type3A_73, %cond3A_74 : i32
      scf.if %cond3A_75 {
        %add3A_409 = arith.constant 1 : i32
        %add3A_410 = arith.addi %add3A_60, %add3A_409 : i32
        %add3A_411 = arith.addi %mul3A_12, %add3A_410 : i32
        %mul3A_412 = arith.constant 32 : i32
        %mul3A_413 = arith.muli %add3A_411, %mul3A_412 : i32
        %dma_start3A_414 = arith.constant 0 : i32
        %dma_start3A_415 = tpu.memref_slice %arg4[%mul3A_413, %dma_start3A_414] : memref<323584x128xf32, #tpu.memory_space<hbm>> -> memref<32x128xf32, #tpu.memory_space<hbm>>
        %dma_start3A_416 = arith.constant 0 : i32
        %dma_start3A_417 = tpu.memref_slice %arg4[%mul3A_413, %dma_start3A_416] : memref<323584x128xf32, #tpu.memory_space<hbm>> -> memref<32x128xf32, #tpu.memory_space<hbm>>
        tpu.enqueue_dma source(%dma_start3A_417 : memref<32x128xf32, #tpu.memory_space<hbm>>) target(%arg17 : memref<32x128xf32, #tpu.memory_space<vmem>>) target_semaphore(%arg23 : memref<!tpu.dma_semaphore, #tpu.memory_space<semaphore_mem>>)
      } else {
      }
      %add3A_76 = arith.constant 2 : i32
      %add3A_77 = arith.addi %add3A_60, %add3A_76 : i32
      %lt3A_78 = arith.constant 316 : i32
      %lt3A_79 = arith.cmpi slt, %add3A_77, %lt3A_78 : i32
      %convert_element_type3A_80 = arith.extui %lt3A_79 : i1 to i32
      %cond3A_81 = arith.constant 0 : i32
      %cond3A_82 = arith.cmpi ne, %convert_element_type3A_80, %cond3A_81 : i32
      scf.if %cond3A_82 {
        %add3A_409 = arith.constant 2 : i32
        %add3A_410 = arith.addi %add3A_60, %add3A_409 : i32
        %add3A_411 = arith.addi %mul3A_12, %add3A_410 : i32
        %dma_start3A_412 = arith.constant 0 : i32
        %dma_start3A_413 = arith.constant 0 : i32
        %dma_start3A_414 = tpu.memref_slice %arg3[%add3A_411, %dma_start3A_412, %dma_start3A_413] : memref<10112x2x32xi32, #tpu.memory_space<hbm>> -> memref<1x2x32xi32, #tpu.memory_space<hbm>>
        %dma_start3A_415 = tpu.memref_squeeze %dma_start3A_414 : memref<1x2x32xi32, #tpu.memory_space<hbm>> -> memref<2x32xi32, #tpu.memory_space<hbm>>
        %dma_start3A_416 = arith.constant 0 : i32
        %dma_start3A_417 = arith.constant 0 : i32
        %dma_start3A_418 = tpu.memref_slice %arg3[%add3A_411, %dma_start3A_416, %dma_start3A_417] : memref<10112x2x32xi32, #tpu.memory_space<hbm>> -> memref<1x2x32xi32, #tpu.memory_space<hbm>>
        %dma_start3A_419 = tpu.memref_squeeze %dma_start3A_418 : memref<1x2x32xi32, #tpu.memory_space<hbm>> -> memref<2x32xi32, #tpu.memory_space<hbm>>
        tpu.enqueue_dma source(%dma_start3A_419 : memref<2x32xi32, #tpu.memory_space<hbm>>) target(%arg12 : memref<2x32xi32, #tpu.memory_space<vmem>>) target_semaphore(%arg28 : memref<!tpu.dma_semaphore, #tpu.memory_space<semaphore_mem>>)
      } else {
      }
      %dma_wait3A_83 = arith.constant 0 : i32
      %dma_wait3A_84 = arith.constant 0 : i32
      %dma_wait3A_85 = tpu.memref_slice %arg10[%dma_wait3A_83, %dma_wait3A_84] : memref<2x32xi32, #tpu.memory_space<vmem>> -> memref<1x32xi32, #tpu.memory_space<vmem>>
      %dma_wait3A_86 = tpu.memref_squeeze %dma_wait3A_85 : memref<1x32xi32, #tpu.memory_space<vmem>> -> memref<32xi32, #tpu.memory_space<vmem>>
      %dma_wait3A_87 = arith.constant 0 : i32
      %dma_wait3A_88 = arith.constant 0 : i32
      %dma_wait3A_89 = tpu.memref_slice %arg2[%dma_wait3A_87, %dma_wait3A_88] : memref<10000x128xf32, #tpu.memory_space<hbm>> -> memref<10000x128xf32, #tpu.memory_space<hbm>>
      tpu.wait_indirect_dma semaphore(%arg20 : memref<!tpu.dma_semaphore, #tpu.memory_space<semaphore_mem>>) src(%dma_wait3A_89 : memref<10000x128xf32, #tpu.memory_space<hbm>>) dst(%arg14 : memref<32x128xf32, #tpu.memory_space<vmem>>)
      %add3A_90 = arith.addi %mul3A_12, %add3A_60 : i32
      %mul3A_91 = arith.constant 32 : i32
      %mul3A_92 = arith.muli %add3A_90, %mul3A_91 : i32
      %dma_wait3A_93 = arith.constant 0 : i32
      %dma_wait3A_94 = tpu.memref_slice %arg4[%mul3A_92, %dma_wait3A_93] : memref<323584x128xf32, #tpu.memory_space<hbm>> -> memref<32x128xf32, #tpu.memory_space<hbm>>
      %dma_wait3A_95 = arith.constant 0 : i32
      %dma_wait3A_96 = tpu.memref_slice %arg4[%mul3A_92, %dma_wait3A_95] : memref<323584x128xf32, #tpu.memory_space<hbm>> -> memref<32x128xf32, #tpu.memory_space<hbm>>
      tpu.wait_dma2 semaphore(%arg22 : memref<!tpu.dma_semaphore, #tpu.memory_space<semaphore_mem>>) src(%dma_wait3A_96 : memref<32x128xf32, #tpu.memory_space<hbm>>) dst(%arg16 : memref<32x128xf32, #tpu.memory_space<vmem>>)
      %scan3A_97 = arith.constant 0 : i32
      %scan3A_98 = arith.constant 32 : i32
      %scan3A_99 = arith.addi %scan3A_97, %scan3A_98 : i32
      %scan3A_100 = arith.constant 1 : i32
      scf.for %scan3A_409 = %scan3A_97 to %scan3A_99 step %scan3A_100  : i32 {
        %mul3A_410 = arith.constant 1 : i32
        %mul3A_411 = arith.muli %scan3A_409, %mul3A_410 : i32
        %add3A_412 = arith.constant 0 : i32
        %add3A_413 = arith.addi %add3A_412, %mul3A_411 : i32
        %get3A_414 = arith.index_cast %add3A_413 : i32 to index
        %get3A_415 = arith.constant 0 : index
        %get3A_416 = tpu.vector_load %arg14[%get3A_414, %get3A_415] {strides = array<i32>} : memref<32x128xf32, #tpu.memory_space<vmem>>, vector<16xf32>,
        %get3A_417 = arith.index_cast %add3A_413 : i32 to index
        %get3A_418 = arith.constant 0 : index
        %get3A_419 = tpu.vector_load %arg16[%get3A_417, %get3A_418] {strides = array<i32>} : memref<32x128xf32, #tpu.memory_space<vmem>>, vector<16xf32>,
        %add3A_420 = arith.addf %get3A_416, %get3A_419 : vector<16xf32>
        %max3A = arith.constant 0.000000e+00 : f32
        %max3A_421 = vector.broadcast %max3A : f32 to vector<16xf32>
        %max3A_422 = arith.maximumf %add3A_420, %max3A_421 : vector<16xf32>
        %swap3A = arith.index_cast %add3A_413 : i32 to index
        %swap3A_423 = arith.constant 0 : index
        %swap3A_424 = tpu.vector_load %arg16[%swap3A, %swap3A_423] {strides = array<i32>} : memref<32x128xf32, #tpu.memory_space<vmem>>, vector<16xf32>,
        tpu.vector_store %arg16[%swap3A, %swap3A_423], %max3A_422 {strides = array<i32>} : memref<32x128xf32, #tpu.memory_space<vmem>>, vector<16xf32>,
        %get3A_425 = arith.index_cast %add3A_413 : i32 to index
        %get3A_426 = arith.constant 16 : index
        %get3A_427 = tpu.vector_load %arg14[%get3A_425, %get3A_426] {strides = array<i32>} : memref<32x128xf32, #tpu.memory_space<vmem>>, vector<16xf32>,
        %get3A_428 = arith.index_cast %add3A_413 : i32 to index
        %get3A_429 = arith.constant 16 : index
        %get3A_430 = tpu.vector_load %arg16[%get3A_428, %get3A_429] {strides = array<i32>} : memref<32x128xf32, #tpu.memory_space<vmem>>, vector<16xf32>,
        %add3A_431 = arith.addf %get3A_427, %get3A_430 : vector<16xf32>
        %max3A_432 = arith.constant 0.000000e+00 : f32
        %max3A_433 = vector.broadcast %max3A_432 : f32 to vector<16xf32>
        %max3A_434 = arith.maximumf %add3A_431, %max3A_433 : vector<16xf32>
        %swap3A_435 = arith.index_cast %add3A_413 : i32 to index
        %swap3A_436 = arith.constant 16 : index
        %swap3A_437 = tpu.vector_load %arg16[%swap3A_435, %swap3A_436] {strides = array<i32>} : memref<32x128xf32, #tpu.memory_space<vmem>>, vector<16xf32>,
        tpu.vector_store %arg16[%swap3A_435, %swap3A_436], %max3A_434 {strides = array<i32>} : memref<32x128xf32, #tpu.memory_space<vmem>>, vector<16xf32>,
        %get3A_438 = arith.index_cast %add3A_413 : i32 to index
        %get3A_439 = arith.constant 32 : index
        %get3A_440 = tpu.vector_load %arg14[%get3A_438, %get3A_439] {strides = array<i32>} : memref<32x128xf32, #tpu.memory_space<vmem>>, vector<16xf32>,
        %get3A_441 = arith.index_cast %add3A_413 : i32 to index
        %get3A_442 = arith.constant 32 : index
        %get3A_443 = tpu.vector_load %arg16[%get3A_441, %get3A_442] {strides = array<i32>} : memref<32x128xf32, #tpu.memory_space<vmem>>, vector<16xf32>,
        %add3A_444 = arith.addf %get3A_440, %get3A_443 : vector<16xf32>
        %max3A_445 = arith.constant 0.000000e+00 : f32
        %max3A_446 = vector.broadcast %max3A_445 : f32 to vector<16xf32>
        %max3A_447 = arith.maximumf %add3A_444, %max3A_446 : vector<16xf32>
        %swap3A_448 = arith.index_cast %add3A_413 : i32 to index
        %swap3A_449 = arith.constant 32 : index
        %swap3A_450 = tpu.vector_load %arg16[%swap3A_448, %swap3A_449] {strides = array<i32>} : memref<32x128xf32, #tpu.memory_space<vmem>>, vector<16xf32>,
        tpu.vector_store %arg16[%swap3A_448, %swap3A_449], %max3A_447 {strides = array<i32>} : memref<32x128xf32, #tpu.memory_space<vmem>>, vector<16xf32>,
        %get3A_451 = arith.index_cast %add3A_413 : i32 to index
        %get3A_452 = arith.constant 48 : index
        %get3A_453 = tpu.vector_load %arg14[%get3A_451, %get3A_452] {strides = array<i32>} : memref<32x128xf32, #tpu.memory_space<vmem>>, vector<16xf32>,
        %get3A_454 = arith.index_cast %add3A_413 : i32 to index
        %get3A_455 = arith.constant 48 : index
        %get3A_456 = tpu.vector_load %arg16[%get3A_454, %get3A_455] {strides = array<i32>} : memref<32x128xf32, #tpu.memory_space<vmem>>, vector<16xf32>,
        %add3A_457 = arith.addf %get3A_453, %get3A_456 : vector<16xf32>
        %max3A_458 = arith.constant 0.000000e+00 : f32
        %max3A_459 = vector.broadcast %max3A_458 : f32 to vector<16xf32>
        %max3A_460 = arith.maximumf %add3A_457, %max3A_459 : vector<16xf32>
        %swap3A_461 = arith.index_cast %add3A_413 : i32 to index
        %swap3A_462 = arith.constant 48 : index
        %swap3A_463 = tpu.vector_load %arg16[%swap3A_461, %swap3A_462] {strides = array<i32>} : memref<32x128xf32, #tpu.memory_space<vmem>>, vector<16xf32>,
        tpu.vector_store %arg16[%swap3A_461, %swap3A_462], %max3A_460 {strides = array<i32>} : memref<32x128xf32, #tpu.memory_space<vmem>>, vector<16xf32>,
        %get3A_464 = arith.index_cast %add3A_413 : i32 to index
        %get3A_465 = arith.constant 64 : index
        %get3A_466 = tpu.vector_load %arg14[%get3A_464, %get3A_465] {strides = array<i32>} : memref<32x128xf32, #tpu.memory_space<vmem>>, vector<16xf32>,
        %get3A_467 = arith.index_cast %add3A_413 : i32 to index
        %get3A_468 = arith.constant 64 : index
        %get3A_469 = tpu.vector_load %arg16[%get3A_467, %get3A_468] {strides = array<i32>} : memref<32x128xf32, #tpu.memory_space<vmem>>, vector<16xf32>,
        %add3A_470 = arith.addf %get3A_466, %get3A_469 : vector<16xf32>
        %max3A_471 = arith.constant 0.000000e+00 : f32
        %max3A_472 = vector.broadcast %max3A_471 : f32 to vector<16xf32>
        %max3A_473 = arith.maximumf %add3A_470, %max3A_472 : vector<16xf32>
        %swap3A_474 = arith.index_cast %add3A_413 : i32 to index
        %swap3A_475 = arith.constant 64 : index
        %swap3A_476 = tpu.vector_load %arg16[%swap3A_474, %swap3A_475] {strides = array<i32>} : memref<32x128xf32, #tpu.memory_space<vmem>>, vector<16xf32>,
        tpu.vector_store %arg16[%swap3A_474, %swap3A_475], %max3A_473 {strides = array<i32>} : memref<32x128xf32, #tpu.memory_space<vmem>>, vector<16xf32>,
        %get3A_477 = arith.index_cast %add3A_413 : i32 to index
        %get3A_478 = arith.constant 80 : index
        %get3A_479 = tpu.vector_load %arg14[%get3A_477, %get3A_478] {strides = array<i32>} : memref<32x128xf32, #tpu.memory_space<vmem>>, vector<16xf32>,
        %get3A_480 = arith.index_cast %add3A_413 : i32 to index
        %get3A_481 = arith.constant 80 : index
        %get3A_482 = tpu.vector_load %arg16[%get3A_480, %get3A_481] {strides = array<i32>} : memref<32x128xf32, #tpu.memory_space<vmem>>, vector<16xf32>,
        %add3A_483 = arith.addf %get3A_479, %get3A_482 : vector<16xf32>
        %max3A_484 = arith.constant 0.000000e+00 : f32
        %max3A_485 = vector.broadcast %max3A_484 : f32 to vector<16xf32>
        %max3A_486 = arith.maximumf %add3A_483, %max3A_485 : vector<16xf32>
        %swap3A_487 = arith.index_cast %add3A_413 : i32 to index
        %swap3A_488 = arith.constant 80 : index
        %swap3A_489 = tpu.vector_load %arg16[%swap3A_487, %swap3A_488] {strides = array<i32>} : memref<32x128xf32, #tpu.memory_space<vmem>>, vector<16xf32>,
        tpu.vector_store %arg16[%swap3A_487, %swap3A_488], %max3A_486 {strides = array<i32>} : memref<32x128xf32, #tpu.memory_space<vmem>>, vector<16xf32>,
        %get3A_490 = arith.index_cast %add3A_413 : i32 to index
        %get3A_491 = arith.constant 96 : index
        %get3A_492 = tpu.vector_load %arg14[%get3A_490, %get3A_491] {strides = array<i32>} : memref<32x128xf32, #tpu.memory_space<vmem>>, vector<16xf32>,
        %get3A_493 = arith.index_cast %add3A_413 : i32 to index
        %get3A_494 = arith.constant 96 : index
        %get3A_495 = tpu.vector_load %arg16[%get3A_493, %get3A_494] {strides = array<i32>} : memref<32x128xf32, #tpu.memory_space<vmem>>, vector<16xf32>,
        %add3A_496 = arith.addf %get3A_492, %get3A_495 : vector<16xf32>
        %max3A_497 = arith.constant 0.000000e+00 : f32
        %max3A_498 = vector.broadcast %max3A_497 : f32 to vector<16xf32>
        %max3A_499 = arith.maximumf %add3A_496, %max3A_498 : vector<16xf32>
        %swap3A_500 = arith.index_cast %add3A_413 : i32 to index
        %swap3A_501 = arith.constant 96 : index
        %swap3A_502 = tpu.vector_load %arg16[%swap3A_500, %swap3A_501] {strides = array<i32>} : memref<32x128xf32, #tpu.memory_space<vmem>>, vector<16xf32>,
        tpu.vector_store %arg16[%swap3A_500, %swap3A_501], %max3A_499 {strides = array<i32>} : memref<32x128xf32, #tpu.memory_space<vmem>>, vector<16xf32>,
        %get3A_503 = arith.index_cast %add3A_413 : i32 to index
        %get3A_504 = arith.constant 112 : index
        %get3A_505 = tpu.vector_load %arg14[%get3A_503, %get3A_504] {strides = array<i32>} : memref<32x128xf32, #tpu.memory_space<vmem>>, vector<16xf32>,
        %get3A_506 = arith.index_cast %add3A_413 : i32 to index
        %get3A_507 = arith.constant 112 : index
        %get3A_508 = tpu.vector_load %arg16[%get3A_506, %get3A_507] {strides = array<i32>} : memref<32x128xf32, #tpu.memory_space<vmem>>, vector<16xf32>,
        %add3A_509 = arith.addf %get3A_505, %get3A_508 : vector<16xf32>
        %max3A_510 = arith.constant 0.000000e+00 : f32
        %max3A_511 = vector.broadcast %max3A_510 : f32 to vector<16xf32>
        %max3A_512 = arith.maximumf %add3A_509, %max3A_511 : vector<16xf32>
        %swap3A_513 = arith.index_cast %add3A_413 : i32 to index
        %swap3A_514 = arith.constant 112 : index
        %swap3A_515 = tpu.vector_load %arg16[%swap3A_513, %swap3A_514] {strides = array<i32>} : memref<32x128xf32, #tpu.memory_space<vmem>>, vector<16xf32>,
        tpu.vector_store %arg16[%swap3A_513, %swap3A_514], %max3A_512 {strides = array<i32>} : memref<32x128xf32, #tpu.memory_space<vmem>>, vector<16xf32>,
      }
      %scan3A_101 = arith.constant 32 : i32
      %get3A = arith.constant 1 : i32
      %get3A_102 = arith.index_cast %get3A : i32 to index
      %get3A_103 = arith.constant 0 : index
      %get3A_104 = tpu.vector_load %arg10[%get3A_102, %get3A_103] {strides = array<i32>} : memref<2x32xi32, #tpu.memory_space<vmem>>, vector<16xi32>,
      %shift_right_logical3A = arith.constant 1 : i32
      %shift_right_logical3A_105 = vector.broadcast %shift_right_logical3A : i32 to vector<16xi32>
      %shift_right_logical3A_106 = arith.shrui %get3A_104, %shift_right_logical3A_105 : vector<16xi32>
      %and3A = arith.constant 1 : i32
      %and3A_107 = vector.broadcast %and3A : i32 to vector<16xi32>
      %and3A_108 = arith.andi %get3A_104, %and3A_107 : vector<16xi32>
      %eq3A = arith.constant 1 : i32
      %eq3A_109 = vector.broadcast %eq3A : i32 to vector<16xi32>
      %eq3A_110 = arith.cmpi eq, %and3A_108, %eq3A_109 : vector<16xi32>
      %jit3A = arith.constant 65536 : i32
      %jit3A_111 = arith.constant 1 : i32
      %broadcast_in_dim3A_112 = vector.broadcast %jit3A : i32 to vector<16xi32>
      %broadcast_in_dim3A_113 = vector.broadcast %jit3A_111 : i32 to vector<16xi32>
      %select_n3A = arith.select %eq3A_110, %broadcast_in_dim3A_112, %broadcast_in_dim3A_113 : vector<16xi1>, vector<16xi32>
      tpu.vector_store_idx %arg18[%shift_right_logical3A_106], %select_n3A {add = true} : memref<5120xi32, #tpu.memory_space<vmem>>[vector<16xi32>], vector<16xi32>,
      %get3A_114 = arith.constant 1 : i32
      %get3A_115 = arith.index_cast %get3A_114 : i32 to index
      %get3A_116 = arith.constant 16 : index
      %get3A_117 = tpu.vector_load %arg10[%get3A_115, %get3A_116] {strides = array<i32>} : memref<2x32xi32, #tpu.memory_space<vmem>>, vector<16xi32>,
      %shift_right_logical3A_118 = arith.constant 1 : i32
      %shift_right_logical3A_119 = vector.broadcast %shift_right_logical3A_118 : i32 to vector<16xi32>
      %shift_right_logical3A_120 = arith.shrui %get3A_117, %shift_right_logical3A_119 : vector<16xi32>
      %and3A_121 = arith.constant 1 : i32
      %and3A_122 = vector.broadcast %and3A_121 : i32 to vector<16xi32>
      %and3A_123 = arith.andi %get3A_117, %and3A_122 : vector<16xi32>
      %eq3A_124 = arith.constant 1 : i32
      %eq3A_125 = vector.broadcast %eq3A_124 : i32 to vector<16xi32>
      %eq3A_126 = arith.cmpi eq, %and3A_123, %eq3A_125 : vector<16xi32>
      %jit3A_127 = arith.constant 65536 : i32
      %jit3A_128 = arith.constant 1 : i32
      %broadcast_in_dim3A_129 = vector.broadcast %jit3A_127 : i32 to vector<16xi32>
      %broadcast_in_dim3A_130 = vector.broadcast %jit3A_128 : i32 to vector<16xi32>
      %select_n3A_131 = arith.select %eq3A_126, %broadcast_in_dim3A_129, %broadcast_in_dim3A_130 : vector<16xi1>, vector<16xi32>
      tpu.vector_store_idx %arg18[%shift_right_logical3A_120], %select_n3A_131 {add = true} : memref<5120xi32, #tpu.memory_space<vmem>>[vector<16xi32>], vector<16xi32>,
      %dma_start3A_132 = arith.constant 1 : i32
      %dma_start3A_133 = arith.constant 0 : i32
      %dma_start3A_134 = tpu.memref_slice %arg10[%dma_start3A_132, %dma_start3A_133] : memref<2x32xi32, #tpu.memory_space<vmem>> -> memref<1x32xi32, #tpu.memory_space<vmem>>
      %dma_start3A_135 = tpu.memref_squeeze %dma_start3A_134 : memref<1x32xi32, #tpu.memory_space<vmem>> -> memref<32xi32, #tpu.memory_space<vmem>>
      %dma_start3A_136 = arith.constant 0 : i32
      %dma_start3A_137 = arith.constant 0 : i32
      %dma_start3A_138 = tpu.memref_slice %arg19[%dma_start3A_136, %dma_start3A_137] : memref<10240x128xf32, #tpu.memory_space<vmem_shared>> -> memref<10240x128xf32, #tpu.memory_space<vmem_shared>>
      tpu.enqueue_indirect_dma source(%arg16 : memref<32x128xf32, #tpu.memory_space<vmem>>) target(%dma_start3A_138 : memref<10240x128xf32, #tpu.memory_space<vmem_shared>>) offsets(%dma_start3A_135 : memref<32xi32, #tpu.memory_space<vmem>>) semaphore(%arg24 : memref<!tpu.dma_semaphore, #tpu.memory_space<semaphore_mem>>) {add = true}
      %add3A_139 = arith.constant 1 : i32
      %add3A_140 = arith.addi %add3A_58, %add3A_139 : i32
      %add3A_141 = arith.constant 1 : i32
      %add3A_142 = arith.addi %add3A_140, %add3A_141 : i32
      %lt3A_143 = arith.constant 316 : i32
      %lt3A_144 = arith.cmpi slt, %add3A_142, %lt3A_143 : i32
      %convert_element_type3A_145 = arith.extui %lt3A_144 : i1 to i32
      %cond3A_146 = arith.constant 0 : i32
      %cond3A_147 = arith.cmpi ne, %convert_element_type3A_145, %cond3A_146 : i32
      scf.if %cond3A_147 {
        %add3A_409 = arith.constant 1 : i32
        %add3A_410 = arith.addi %add3A_140, %add3A_409 : i32
        %add3A_411 = arith.addi %mul3A_12, %add3A_410 : i32
        %dma_wait3A_412 = arith.constant 0 : i32
        %dma_wait3A_413 = arith.constant 0 : i32
        %dma_wait3A_414 = tpu.memref_slice %arg3[%add3A_411, %dma_wait3A_412, %dma_wait3A_413] : memref<10112x2x32xi32, #tpu.memory_space<hbm>> -> memref<1x2x32xi32, #tpu.memory_space<hbm>>
        %dma_wait3A_415 = tpu.memref_squeeze %dma_wait3A_414 : memref<1x2x32xi32, #tpu.memory_space<hbm>> -> memref<2x32xi32, #tpu.memory_space<hbm>>
        %dma_wait3A_416 = arith.constant 0 : i32
        %dma_wait3A_417 = arith.constant 0 : i32
        %dma_wait3A_418 = tpu.memref_slice %arg3[%add3A_411, %dma_wait3A_416, %dma_wait3A_417] : memref<10112x2x32xi32, #tpu.memory_space<hbm>> -> memref<1x2x32xi32, #tpu.memory_space<hbm>>
        %dma_wait3A_419 = tpu.memref_squeeze %dma_wait3A_418 : memref<1x2x32xi32, #tpu.memory_space<hbm>> -> memref<2x32xi32, #tpu.memory_space<hbm>>
        tpu.wait_dma2 semaphore(%arg28 : memref<!tpu.dma_semaphore, #tpu.memory_space<semaphore_mem>>) src(%dma_wait3A_419 : memref<2x32xi32, #tpu.memory_space<hbm>>) dst(%arg12 : memref<2x32xi32, #tpu.memory_space<vmem>>)
        %add3A_420 = arith.constant 1 : i32
        %add3A_421 = arith.addi %add3A_140, %add3A_420 : i32
        %dma_start3A_422 = arith.constant 0 : i32
        %dma_start3A_423 = arith.constant 0 : i32
        %dma_start3A_424 = tpu.memref_slice %arg12[%dma_start3A_422, %dma_start3A_423] : memref<2x32xi32, #tpu.memory_space<vmem>> -> memref<1x32xi32, #tpu.memory_space<vmem>>
        %dma_start3A_425 = tpu.memref_squeeze %dma_start3A_424 : memref<1x32xi32, #tpu.memory_space<vmem>> -> memref<32xi32, #tpu.memory_space<vmem>>
        %dma_start3A_426 = arith.constant 0 : i32
        %dma_start3A_427 = arith.constant 0 : i32
        %dma_start3A_428 = tpu.memref_slice %arg2[%dma_start3A_426, %dma_start3A_427] : memref<10000x128xf32, #tpu.memory_space<hbm>> -> memref<10000x128xf32, #tpu.memory_space<hbm>>
        tpu.enqueue_indirect_dma source(%dma_start3A_428 : memref<10000x128xf32, #tpu.memory_space<hbm>>) target(%arg14 : memref<32x128xf32, #tpu.memory_space<vmem>>) offsets(%dma_start3A_425 : memref<32xi32, #tpu.memory_space<vmem>>) semaphore(%arg20 : memref<!tpu.dma_semaphore, #tpu.memory_space<semaphore_mem>>)
      } else {
      }
      %ge3A_148 = arith.constant 1 : i32
      %ge3A_149 = arith.cmpi sge, %add3A_140, %ge3A_148 : i32
      %convert_element_type3A_150 = arith.extui %ge3A_149 : i1 to i32
      %cond3A_151 = arith.constant 0 : i32
      %cond3A_152 = arith.cmpi ne, %convert_element_type3A_150, %cond3A_151 : i32
      scf.if %cond3A_152 {
        %sub3A = arith.constant 1 : i32
        %sub3A_409 = arith.subi %add3A_140, %sub3A : i32
        %dma_wait3A_410 = arith.constant 1 : i32
        %dma_wait3A_411 = arith.constant 0 : i32
        %dma_wait3A_412 = tpu.memref_slice %arg10[%dma_wait3A_410, %dma_wait3A_411] : memref<2x32xi32, #tpu.memory_space<vmem>> -> memref<1x32xi32, #tpu.memory_space<vmem>>
        %dma_wait3A_413 = tpu.memref_squeeze %dma_wait3A_412 : memref<1x32xi32, #tpu.memory_space<vmem>> -> memref<32xi32, #tpu.memory_space<vmem>>
        %dma_wait3A_414 = arith.constant 0 : i32
        %dma_wait3A_415 = arith.constant 0 : i32
        %dma_wait3A_416 = tpu.memref_slice %arg19[%dma_wait3A_414, %dma_wait3A_415] : memref<10240x128xf32, #tpu.memory_space<vmem_shared>> -> memref<10240x128xf32, #tpu.memory_space<vmem_shared>>
        tpu.wait_indirect_dma semaphore(%arg24 : memref<!tpu.dma_semaphore, #tpu.memory_space<semaphore_mem>>) src(%arg16 : memref<32x128xf32, #tpu.memory_space<vmem>>) dst(%dma_wait3A_416 : memref<10240x128xf32, #tpu.memory_space<vmem_shared>>)
      } else {
      }
      %add3A_153 = arith.constant 1 : i32
      %add3A_154 = arith.addi %add3A_140, %add3A_153 : i32
      %lt3A_155 = arith.constant 316 : i32
      %lt3A_156 = arith.cmpi slt, %add3A_154, %lt3A_155 : i32
      %convert_element_type3A_157 = arith.extui %lt3A_156 : i1 to i32
      %cond3A_158 = arith.constant 0 : i32
      %cond3A_159 = arith.cmpi ne, %convert_element_type3A_157, %cond3A_158 : i32
      scf.if %cond3A_159 {
        %add3A_409 = arith.constant 1 : i32
        %add3A_410 = arith.addi %add3A_140, %add3A_409 : i32
        %add3A_411 = arith.addi %mul3A_12, %add3A_410 : i32
        %mul3A_412 = arith.constant 32 : i32
        %mul3A_413 = arith.muli %add3A_411, %mul3A_412 : i32
        %dma_start3A_414 = arith.constant 0 : i32
        %dma_start3A_415 = tpu.memref_slice %arg4[%mul3A_413, %dma_start3A_414] : memref<323584x128xf32, #tpu.memory_space<hbm>> -> memref<32x128xf32, #tpu.memory_space<hbm>>
        %dma_start3A_416 = arith.constant 0 : i32
        %dma_start3A_417 = tpu.memref_slice %arg4[%mul3A_413, %dma_start3A_416] : memref<323584x128xf32, #tpu.memory_space<hbm>> -> memref<32x128xf32, #tpu.memory_space<hbm>>
        tpu.enqueue_dma source(%dma_start3A_417 : memref<32x128xf32, #tpu.memory_space<hbm>>) target(%arg16 : memref<32x128xf32, #tpu.memory_space<vmem>>) target_semaphore(%arg22 : memref<!tpu.dma_semaphore, #tpu.memory_space<semaphore_mem>>)
      } else {
      }
      %add3A_160 = arith.constant 2 : i32
      %add3A_161 = arith.addi %add3A_140, %add3A_160 : i32
      %lt3A_162 = arith.constant 316 : i32
      %lt3A_163 = arith.cmpi slt, %add3A_161, %lt3A_162 : i32
      %convert_element_type3A_164 = arith.extui %lt3A_163 : i1 to i32
      %cond3A_165 = arith.constant 0 : i32
      %cond3A_166 = arith.cmpi ne, %convert_element_type3A_164, %cond3A_165 : i32
      scf.if %cond3A_166 {
        %add3A_409 = arith.constant 2 : i32
        %add3A_410 = arith.addi %add3A_140, %add3A_409 : i32
        %add3A_411 = arith.addi %mul3A_12, %add3A_410 : i32
        %dma_start3A_412 = arith.constant 0 : i32
        %dma_start3A_413 = arith.constant 0 : i32
        %dma_start3A_414 = tpu.memref_slice %arg3[%add3A_411, %dma_start3A_412, %dma_start3A_413] : memref<10112x2x32xi32, #tpu.memory_space<hbm>> -> memref<1x2x32xi32, #tpu.memory_space<hbm>>
        %dma_start3A_415 = tpu.memref_squeeze %dma_start3A_414 : memref<1x2x32xi32, #tpu.memory_space<hbm>> -> memref<2x32xi32, #tpu.memory_space<hbm>>
        %dma_start3A_416 = arith.constant 0 : i32
        %dma_start3A_417 = arith.constant 0 : i32
        %dma_start3A_418 = tpu.memref_slice %arg3[%add3A_411, %dma_start3A_416, %dma_start3A_417] : memref<10112x2x32xi32, #tpu.memory_space<hbm>> -> memref<1x2x32xi32, #tpu.memory_space<hbm>>
        %dma_start3A_419 = tpu.memref_squeeze %dma_start3A_418 : memref<1x2x32xi32, #tpu.memory_space<hbm>> -> memref<2x32xi32, #tpu.memory_space<hbm>>
        tpu.enqueue_dma source(%dma_start3A_419 : memref<2x32xi32, #tpu.memory_space<hbm>>) target(%arg13 : memref<2x32xi32, #tpu.memory_space<vmem>>) target_semaphore(%arg29 : memref<!tpu.dma_semaphore, #tpu.memory_space<semaphore_mem>>)
      } else {
      }
      %dma_wait3A_167 = arith.constant 0 : i32
      %dma_wait3A_168 = arith.constant 0 : i32
      %dma_wait3A_169 = tpu.memref_slice %arg11[%dma_wait3A_167, %dma_wait3A_168] : memref<2x32xi32, #tpu.memory_space<vmem>> -> memref<1x32xi32, #tpu.memory_space<vmem>>
      %dma_wait3A_170 = tpu.memref_squeeze %dma_wait3A_169 : memref<1x32xi32, #tpu.memory_space<vmem>> -> memref<32xi32, #tpu.memory_space<vmem>>
      %dma_wait3A_171 = arith.constant 0 : i32
      %dma_wait3A_172 = arith.constant 0 : i32
      %dma_wait3A_173 = tpu.memref_slice %arg2[%dma_wait3A_171, %dma_wait3A_172] : memref<10000x128xf32, #tpu.memory_space<hbm>> -> memref<10000x128xf32, #tpu.memory_space<hbm>>
      tpu.wait_indirect_dma semaphore(%arg21 : memref<!tpu.dma_semaphore, #tpu.memory_space<semaphore_mem>>) src(%dma_wait3A_173 : memref<10000x128xf32, #tpu.memory_space<hbm>>) dst(%arg15 : memref<32x128xf32, #tpu.memory_space<vmem>>)
      %add3A_174 = arith.addi %mul3A_12, %add3A_140 : i32
      %mul3A_175 = arith.constant 32 : i32
      %mul3A_176 = arith.muli %add3A_174, %mul3A_175 : i32
      %dma_wait3A_177 = arith.constant 0 : i32
      %dma_wait3A_178 = tpu.memref_slice %arg4[%mul3A_176, %dma_wait3A_177] : memref<323584x128xf32, #tpu.memory_space<hbm>> -> memref<32x128xf32, #tpu.memory_space<hbm>>
      %dma_wait3A_179 = arith.constant 0 : i32
      %dma_wait3A_180 = tpu.memref_slice %arg4[%mul3A_176, %dma_wait3A_179] : memref<323584x128xf32, #tpu.memory_space<hbm>> -> memref<32x128xf32, #tpu.memory_space<hbm>>
      tpu.wait_dma2 semaphore(%arg23 : memref<!tpu.dma_semaphore, #tpu.memory_space<semaphore_mem>>) src(%dma_wait3A_180 : memref<32x128xf32, #tpu.memory_space<hbm>>) dst(%arg17 : memref<32x128xf32, #tpu.memory_space<vmem>>)
      %scan3A_181 = arith.constant 0 : i32
      %scan3A_182 = arith.constant 32 : i32
      %scan3A_183 = arith.addi %scan3A_181, %scan3A_182 : i32
      %scan3A_184 = arith.constant 1 : i32
      scf.for %scan3A_409 = %scan3A_181 to %scan3A_183 step %scan3A_184  : i32 {
        %mul3A_410 = arith.constant 1 : i32
        %mul3A_411 = arith.muli %scan3A_409, %mul3A_410 : i32
        %add3A_412 = arith.constant 0 : i32
        %add3A_413 = arith.addi %add3A_412, %mul3A_411 : i32
        %get3A_414 = arith.index_cast %add3A_413 : i32 to index
        %get3A_415 = arith.constant 0 : index
        %get3A_416 = tpu.vector_load %arg15[%get3A_414, %get3A_415] {strides = array<i32>} : memref<32x128xf32, #tpu.memory_space<vmem>>, vector<16xf32>,
        %get3A_417 = arith.index_cast %add3A_413 : i32 to index
        %get3A_418 = arith.constant 0 : index
        %get3A_419 = tpu.vector_load %arg17[%get3A_417, %get3A_418] {strides = array<i32>} : memref<32x128xf32, #tpu.memory_space<vmem>>, vector<16xf32>,
        %add3A_420 = arith.addf %get3A_416, %get3A_419 : vector<16xf32>
        %max3A = arith.constant 0.000000e+00 : f32
        %max3A_421 = vector.broadcast %max3A : f32 to vector<16xf32>
        %max3A_422 = arith.maximumf %add3A_420, %max3A_421 : vector<16xf32>
        %swap3A = arith.index_cast %add3A_413 : i32 to index
        %swap3A_423 = arith.constant 0 : index
        %swap3A_424 = tpu.vector_load %arg17[%swap3A, %swap3A_423] {strides = array<i32>} : memref<32x128xf32, #tpu.memory_space<vmem>>, vector<16xf32>,
        tpu.vector_store %arg17[%swap3A, %swap3A_423], %max3A_422 {strides = array<i32>} : memref<32x128xf32, #tpu.memory_space<vmem>>, vector<16xf32>,
        %get3A_425 = arith.index_cast %add3A_413 : i32 to index
        %get3A_426 = arith.constant 16 : index
        %get3A_427 = tpu.vector_load %arg15[%get3A_425, %get3A_426] {strides = array<i32>} : memref<32x128xf32, #tpu.memory_space<vmem>>, vector<16xf32>,
        %get3A_428 = arith.index_cast %add3A_413 : i32 to index
        %get3A_429 = arith.constant 16 : index
        %get3A_430 = tpu.vector_load %arg17[%get3A_428, %get3A_429] {strides = array<i32>} : memref<32x128xf32, #tpu.memory_space<vmem>>, vector<16xf32>,
        %add3A_431 = arith.addf %get3A_427, %get3A_430 : vector<16xf32>
        %max3A_432 = arith.constant 0.000000e+00 : f32
        %max3A_433 = vector.broadcast %max3A_432 : f32 to vector<16xf32>
        %max3A_434 = arith.maximumf %add3A_431, %max3A_433 : vector<16xf32>
        %swap3A_435 = arith.index_cast %add3A_413 : i32 to index
        %swap3A_436 = arith.constant 16 : index
        %swap3A_437 = tpu.vector_load %arg17[%swap3A_435, %swap3A_436] {strides = array<i32>} : memref<32x128xf32, #tpu.memory_space<vmem>>, vector<16xf32>,
        tpu.vector_store %arg17[%swap3A_435, %swap3A_436], %max3A_434 {strides = array<i32>} : memref<32x128xf32, #tpu.memory_space<vmem>>, vector<16xf32>,
        %get3A_438 = arith.index_cast %add3A_413 : i32 to index
        %get3A_439 = arith.constant 32 : index
        %get3A_440 = tpu.vector_load %arg15[%get3A_438, %get3A_439] {strides = array<i32>} : memref<32x128xf32, #tpu.memory_space<vmem>>, vector<16xf32>,
        %get3A_441 = arith.index_cast %add3A_413 : i32 to index
        %get3A_442 = arith.constant 32 : index
        %get3A_443 = tpu.vector_load %arg17[%get3A_441, %get3A_442] {strides = array<i32>} : memref<32x128xf32, #tpu.memory_space<vmem>>, vector<16xf32>,
        %add3A_444 = arith.addf %get3A_440, %get3A_443 : vector<16xf32>
        %max3A_445 = arith.constant 0.000000e+00 : f32
        %max3A_446 = vector.broadcast %max3A_445 : f32 to vector<16xf32>
        %max3A_447 = arith.maximumf %add3A_444, %max3A_446 : vector<16xf32>
        %swap3A_448 = arith.index_cast %add3A_413 : i32 to index
        %swap3A_449 = arith.constant 32 : index
        %swap3A_450 = tpu.vector_load %arg17[%swap3A_448, %swap3A_449] {strides = array<i32>} : memref<32x128xf32, #tpu.memory_space<vmem>>, vector<16xf32>,
        tpu.vector_store %arg17[%swap3A_448, %swap3A_449], %max3A_447 {strides = array<i32>} : memref<32x128xf32, #tpu.memory_space<vmem>>, vector<16xf32>,
        %get3A_451 = arith.index_cast %add3A_413 : i32 to index
        %get3A_452 = arith.constant 48 : index
        %get3A_453 = tpu.vector_load %arg15[%get3A_451, %get3A_452] {strides = array<i32>} : memref<32x128xf32, #tpu.memory_space<vmem>>, vector<16xf32>,
        %get3A_454 = arith.index_cast %add3A_413 : i32 to index
        %get3A_455 = arith.constant 48 : index
        %get3A_456 = tpu.vector_load %arg17[%get3A_454, %get3A_455] {strides = array<i32>} : memref<32x128xf32, #tpu.memory_space<vmem>>, vector<16xf32>,
        %add3A_457 = arith.addf %get3A_453, %get3A_456 : vector<16xf32>
        %max3A_458 = arith.constant 0.000000e+00 : f32
        %max3A_459 = vector.broadcast %max3A_458 : f32 to vector<16xf32>
        %max3A_460 = arith.maximumf %add3A_457, %max3A_459 : vector<16xf32>
        %swap3A_461 = arith.index_cast %add3A_413 : i32 to index
        %swap3A_462 = arith.constant 48 : index
        %swap3A_463 = tpu.vector_load %arg17[%swap3A_461, %swap3A_462] {strides = array<i32>} : memref<32x128xf32, #tpu.memory_space<vmem>>, vector<16xf32>,
        tpu.vector_store %arg17[%swap3A_461, %swap3A_462], %max3A_460 {strides = array<i32>} : memref<32x128xf32, #tpu.memory_space<vmem>>, vector<16xf32>,
        %get3A_464 = arith.index_cast %add3A_413 : i32 to index
        %get3A_465 = arith.constant 64 : index
        %get3A_466 = tpu.vector_load %arg15[%get3A_464, %get3A_465] {strides = array<i32>} : memref<32x128xf32, #tpu.memory_space<vmem>>, vector<16xf32>,
        %get3A_467 = arith.index_cast %add3A_413 : i32 to index
        %get3A_468 = arith.constant 64 : index
        %get3A_469 = tpu.vector_load %arg17[%get3A_467, %get3A_468] {strides = array<i32>} : memref<32x128xf32, #tpu.memory_space<vmem>>, vector<16xf32>,
        %add3A_470 = arith.addf %get3A_466, %get3A_469 : vector<16xf32>
        %max3A_471 = arith.constant 0.000000e+00 : f32
        %max3A_472 = vector.broadcast %max3A_471 : f32 to vector<16xf32>
        %max3A_473 = arith.maximumf %add3A_470, %max3A_472 : vector<16xf32>
        %swap3A_474 = arith.index_cast %add3A_413 : i32 to index
        %swap3A_475 = arith.constant 64 : index
        %swap3A_476 = tpu.vector_load %arg17[%swap3A_474, %swap3A_475] {strides = array<i32>} : memref<32x128xf32, #tpu.memory_space<vmem>>, vector<16xf32>,
        tpu.vector_store %arg17[%swap3A_474, %swap3A_475], %max3A_473 {strides = array<i32>} : memref<32x128xf32, #tpu.memory_space<vmem>>, vector<16xf32>,
        %get3A_477 = arith.index_cast %add3A_413 : i32 to index
        %get3A_478 = arith.constant 80 : index
        %get3A_479 = tpu.vector_load %arg15[%get3A_477, %get3A_478] {strides = array<i32>} : memref<32x128xf32, #tpu.memory_space<vmem>>, vector<16xf32>,
        %get3A_480 = arith.index_cast %add3A_413 : i32 to index
        %get3A_481 = arith.constant 80 : index
        %get3A_482 = tpu.vector_load %arg17[%get3A_480, %get3A_481] {strides = array<i32>} : memref<32x128xf32, #tpu.memory_space<vmem>>, vector<16xf32>,
        %add3A_483 = arith.addf %get3A_479, %get3A_482 : vector<16xf32>
        %max3A_484 = arith.constant 0.000000e+00 : f32
        %max3A_485 = vector.broadcast %max3A_484 : f32 to vector<16xf32>
        %max3A_486 = arith.maximumf %add3A_483, %max3A_485 : vector<16xf32>
        %swap3A_487 = arith.index_cast %add3A_413 : i32 to index
        %swap3A_488 = arith.constant 80 : index
        %swap3A_489 = tpu.vector_load %arg17[%swap3A_487, %swap3A_488] {strides = array<i32>} : memref<32x128xf32, #tpu.memory_space<vmem>>, vector<16xf32>,
        tpu.vector_store %arg17[%swap3A_487, %swap3A_488], %max3A_486 {strides = array<i32>} : memref<32x128xf32, #tpu.memory_space<vmem>>, vector<16xf32>,
        %get3A_490 = arith.index_cast %add3A_413 : i32 to index
        %get3A_491 = arith.constant 96 : index
        %get3A_492 = tpu.vector_load %arg15[%get3A_490, %get3A_491] {strides = array<i32>} : memref<32x128xf32, #tpu.memory_space<vmem>>, vector<16xf32>,
        %get3A_493 = arith.index_cast %add3A_413 : i32 to index
        %get3A_494 = arith.constant 96 : index
        %get3A_495 = tpu.vector_load %arg17[%get3A_493, %get3A_494] {strides = array<i32>} : memref<32x128xf32, #tpu.memory_space<vmem>>, vector<16xf32>,
        %add3A_496 = arith.addf %get3A_492, %get3A_495 : vector<16xf32>
        %max3A_497 = arith.constant 0.000000e+00 : f32
        %max3A_498 = vector.broadcast %max3A_497 : f32 to vector<16xf32>
        %max3A_499 = arith.maximumf %add3A_496, %max3A_498 : vector<16xf32>
        %swap3A_500 = arith.index_cast %add3A_413 : i32 to index
        %swap3A_501 = arith.constant 96 : index
        %swap3A_502 = tpu.vector_load %arg17[%swap3A_500, %swap3A_501] {strides = array<i32>} : memref<32x128xf32, #tpu.memory_space<vmem>>, vector<16xf32>,
        tpu.vector_store %arg17[%swap3A_500, %swap3A_501], %max3A_499 {strides = array<i32>} : memref<32x128xf32, #tpu.memory_space<vmem>>, vector<16xf32>,
        %get3A_503 = arith.index_cast %add3A_413 : i32 to index
        %get3A_504 = arith.constant 112 : index
        %get3A_505 = tpu.vector_load %arg15[%get3A_503, %get3A_504] {strides = array<i32>} : memref<32x128xf32, #tpu.memory_space<vmem>>, vector<16xf32>,
        %get3A_506 = arith.index_cast %add3A_413 : i32 to index
        %get3A_507 = arith.constant 112 : index
        %get3A_508 = tpu.vector_load %arg17[%get3A_506, %get3A_507] {strides = array<i32>} : memref<32x128xf32, #tpu.memory_space<vmem>>, vector<16xf32>,
        %add3A_509 = arith.addf %get3A_505, %get3A_508 : vector<16xf32>
        %max3A_510 = arith.constant 0.000000e+00 : f32
        %max3A_511 = vector.broadcast %max3A_510 : f32 to vector<16xf32>
        %max3A_512 = arith.maximumf %add3A_509, %max3A_511 : vector<16xf32>
        %swap3A_513 = arith.index_cast %add3A_413 : i32 to index
        %swap3A_514 = arith.constant 112 : index
        %swap3A_515 = tpu.vector_load %arg17[%swap3A_513, %swap3A_514] {strides = array<i32>} : memref<32x128xf32, #tpu.memory_space<vmem>>, vector<16xf32>,
        tpu.vector_store %arg17[%swap3A_513, %swap3A_514], %max3A_512 {strides = array<i32>} : memref<32x128xf32, #tpu.memory_space<vmem>>, vector<16xf32>,
      }
      %scan3A_185 = arith.constant 32 : i32
      %get3A_186 = arith.constant 1 : i32
      %get3A_187 = arith.index_cast %get3A_186 : i32 to index
      %get3A_188 = arith.constant 0 : index
      %get3A_189 = tpu.vector_load %arg11[%get3A_187, %get3A_188] {strides = array<i32>} : memref<2x32xi32, #tpu.memory_space<vmem>>, vector<16xi32>,
      %shift_right_logical3A_190 = arith.constant 1 : i32
      %shift_right_logical3A_191 = vector.broadcast %shift_right_logical3A_190 : i32 to vector<16xi32>
      %shift_right_logical3A_192 = arith.shrui %get3A_189, %shift_right_logical3A_191 : vector<16xi32>
      %and3A_193 = arith.constant 1 : i32
      %and3A_194 = vector.broadcast %and3A_193 : i32 to vector<16xi32>
      %and3A_195 = arith.andi %get3A_189, %and3A_194 : vector<16xi32>
      %eq3A_196 = arith.constant 1 : i32
      %eq3A_197 = vector.broadcast %eq3A_196 : i32 to vector<16xi32>
      %eq3A_198 = arith.cmpi eq, %and3A_195, %eq3A_197 : vector<16xi32>
      %jit3A_199 = arith.constant 65536 : i32
      %jit3A_200 = arith.constant 1 : i32
      %broadcast_in_dim3A_201 = vector.broadcast %jit3A_199 : i32 to vector<16xi32>
      %broadcast_in_dim3A_202 = vector.broadcast %jit3A_200 : i32 to vector<16xi32>
      %select_n3A_203 = arith.select %eq3A_198, %broadcast_in_dim3A_201, %broadcast_in_dim3A_202 : vector<16xi1>, vector<16xi32>
      tpu.vector_store_idx %arg18[%shift_right_logical3A_192], %select_n3A_203 {add = true} : memref<5120xi32, #tpu.memory_space<vmem>>[vector<16xi32>], vector<16xi32>,
      %get3A_204 = arith.constant 1 : i32
      %get3A_205 = arith.index_cast %get3A_204 : i32 to index
      %get3A_206 = arith.constant 16 : index
      %get3A_207 = tpu.vector_load %arg11[%get3A_205, %get3A_206] {strides = array<i32>} : memref<2x32xi32, #tpu.memory_space<vmem>>, vector<16xi32>,
      %shift_right_logical3A_208 = arith.constant 1 : i32
      %shift_right_logical3A_209 = vector.broadcast %shift_right_logical3A_208 : i32 to vector<16xi32>
      %shift_right_logical3A_210 = arith.shrui %get3A_207, %shift_right_logical3A_209 : vector<16xi32>
      %and3A_211 = arith.constant 1 : i32
      %and3A_212 = vector.broadcast %and3A_211 : i32 to vector<16xi32>
      %and3A_213 = arith.andi %get3A_207, %and3A_212 : vector<16xi32>
      %eq3A_214 = arith.constant 1 : i32
      %eq3A_215 = vector.broadcast %eq3A_214 : i32 to vector<16xi32>
      %eq3A_216 = arith.cmpi eq, %and3A_213, %eq3A_215 : vector<16xi32>
      %jit3A_217 = arith.constant 65536 : i32
      %jit3A_218 = arith.constant 1 : i32
      %broadcast_in_dim3A_219 = vector.broadcast %jit3A_217 : i32 to vector<16xi32>
      %broadcast_in_dim3A_220 = vector.broadcast %jit3A_218 : i32 to vector<16xi32>
      %select_n3A_221 = arith.select %eq3A_216, %broadcast_in_dim3A_219, %broadcast_in_dim3A_220 : vector<16xi1>, vector<16xi32>
      tpu.vector_store_idx %arg18[%shift_right_logical3A_210], %select_n3A_221 {add = true} : memref<5120xi32, #tpu.memory_space<vmem>>[vector<16xi32>], vector<16xi32>,
      %dma_start3A_222 = arith.constant 1 : i32
      %dma_start3A_223 = arith.constant 0 : i32
      %dma_start3A_224 = tpu.memref_slice %arg11[%dma_start3A_222, %dma_start3A_223] : memref<2x32xi32, #tpu.memory_space<vmem>> -> memref<1x32xi32, #tpu.memory_space<vmem>>
      %dma_start3A_225 = tpu.memref_squeeze %dma_start3A_224 : memref<1x32xi32, #tpu.memory_space<vmem>> -> memref<32xi32, #tpu.memory_space<vmem>>
      %dma_start3A_226 = arith.constant 0 : i32
      %dma_start3A_227 = arith.constant 0 : i32
      %dma_start3A_228 = tpu.memref_slice %arg19[%dma_start3A_226, %dma_start3A_227] : memref<10240x128xf32, #tpu.memory_space<vmem_shared>> -> memref<10240x128xf32, #tpu.memory_space<vmem_shared>>
      tpu.enqueue_indirect_dma source(%arg17 : memref<32x128xf32, #tpu.memory_space<vmem>>) target(%dma_start3A_228 : memref<10240x128xf32, #tpu.memory_space<vmem_shared>>) offsets(%dma_start3A_225 : memref<32xi32, #tpu.memory_space<vmem>>) semaphore(%arg25 : memref<!tpu.dma_semaphore, #tpu.memory_space<semaphore_mem>>) {add = true}
      %add3A_229 = arith.constant 2 : i32
      %add3A_230 = arith.addi %add3A_58, %add3A_229 : i32
      %add3A_231 = arith.constant 1 : i32
      %add3A_232 = arith.addi %add3A_230, %add3A_231 : i32
      %lt3A_233 = arith.constant 316 : i32
      %lt3A_234 = arith.cmpi slt, %add3A_232, %lt3A_233 : i32
      %convert_element_type3A_235 = arith.extui %lt3A_234 : i1 to i32
      %cond3A_236 = arith.constant 0 : i32
      %cond3A_237 = arith.cmpi ne, %convert_element_type3A_235, %cond3A_236 : i32
      scf.if %cond3A_237 {
        %add3A_409 = arith.constant 1 : i32
        %add3A_410 = arith.addi %add3A_230, %add3A_409 : i32
        %add3A_411 = arith.addi %mul3A_12, %add3A_410 : i32
        %dma_wait3A_412 = arith.constant 0 : i32
        %dma_wait3A_413 = arith.constant 0 : i32
        %dma_wait3A_414 = tpu.memref_slice %arg3[%add3A_411, %dma_wait3A_412, %dma_wait3A_413] : memref<10112x2x32xi32, #tpu.memory_space<hbm>> -> memref<1x2x32xi32, #tpu.memory_space<hbm>>
        %dma_wait3A_415 = tpu.memref_squeeze %dma_wait3A_414 : memref<1x2x32xi32, #tpu.memory_space<hbm>> -> memref<2x32xi32, #tpu.memory_space<hbm>>
        %dma_wait3A_416 = arith.constant 0 : i32
        %dma_wait3A_417 = arith.constant 0 : i32
        %dma_wait3A_418 = tpu.memref_slice %arg3[%add3A_411, %dma_wait3A_416, %dma_wait3A_417] : memref<10112x2x32xi32, #tpu.memory_space<hbm>> -> memref<1x2x32xi32, #tpu.memory_space<hbm>>
        %dma_wait3A_419 = tpu.memref_squeeze %dma_wait3A_418 : memref<1x2x32xi32, #tpu.memory_space<hbm>> -> memref<2x32xi32, #tpu.memory_space<hbm>>
        tpu.wait_dma2 semaphore(%arg29 : memref<!tpu.dma_semaphore, #tpu.memory_space<semaphore_mem>>) src(%dma_wait3A_419 : memref<2x32xi32, #tpu.memory_space<hbm>>) dst(%arg13 : memref<2x32xi32, #tpu.memory_space<vmem>>)
        %add3A_420 = arith.constant 1 : i32
        %add3A_421 = arith.addi %add3A_230, %add3A_420 : i32
        %dma_start3A_422 = arith.constant 0 : i32
        %dma_start3A_423 = arith.constant 0 : i32
        %dma_start3A_424 = tpu.memref_slice %arg13[%dma_start3A_422, %dma_start3A_423] : memref<2x32xi32, #tpu.memory_space<vmem>> -> memref<1x32xi32, #tpu.memory_space<vmem>>
        %dma_start3A_425 = tpu.memref_squeeze %dma_start3A_424 : memref<1x32xi32, #tpu.memory_space<vmem>> -> memref<32xi32, #tpu.memory_space<vmem>>
        %dma_start3A_426 = arith.constant 0 : i32
        %dma_start3A_427 = arith.constant 0 : i32
        %dma_start3A_428 = tpu.memref_slice %arg2[%dma_start3A_426, %dma_start3A_427] : memref<10000x128xf32, #tpu.memory_space<hbm>> -> memref<10000x128xf32, #tpu.memory_space<hbm>>
        tpu.enqueue_indirect_dma source(%dma_start3A_428 : memref<10000x128xf32, #tpu.memory_space<hbm>>) target(%arg15 : memref<32x128xf32, #tpu.memory_space<vmem>>) offsets(%dma_start3A_425 : memref<32xi32, #tpu.memory_space<vmem>>) semaphore(%arg21 : memref<!tpu.dma_semaphore, #tpu.memory_space<semaphore_mem>>)
      } else {
      }
      %ge3A_238 = arith.constant 1 : i32
      %ge3A_239 = arith.cmpi sge, %add3A_230, %ge3A_238 : i32
      %convert_element_type3A_240 = arith.extui %ge3A_239 : i1 to i32
      %cond3A_241 = arith.constant 0 : i32
      %cond3A_242 = arith.cmpi ne, %convert_element_type3A_240, %cond3A_241 : i32
      scf.if %cond3A_242 {
        %sub3A = arith.constant 1 : i32
        %sub3A_409 = arith.subi %add3A_230, %sub3A : i32
        %dma_wait3A_410 = arith.constant 1 : i32
        %dma_wait3A_411 = arith.constant 0 : i32
        %dma_wait3A_412 = tpu.memref_slice %arg11[%dma_wait3A_410, %dma_wait3A_411] : memref<2x32xi32, #tpu.memory_space<vmem>> -> memref<1x32xi32, #tpu.memory_space<vmem>>
        %dma_wait3A_413 = tpu.memref_squeeze %dma_wait3A_412 : memref<1x32xi32, #tpu.memory_space<vmem>> -> memref<32xi32, #tpu.memory_space<vmem>>
        %dma_wait3A_414 = arith.constant 0 : i32
        %dma_wait3A_415 = arith.constant 0 : i32
        %dma_wait3A_416 = tpu.memref_slice %arg19[%dma_wait3A_414, %dma_wait3A_415] : memref<10240x128xf32, #tpu.memory_space<vmem_shared>> -> memref<10240x128xf32, #tpu.memory_space<vmem_shared>>
        tpu.wait_indirect_dma semaphore(%arg25 : memref<!tpu.dma_semaphore, #tpu.memory_space<semaphore_mem>>) src(%arg17 : memref<32x128xf32, #tpu.memory_space<vmem>>) dst(%dma_wait3A_416 : memref<10240x128xf32, #tpu.memory_space<vmem_shared>>)
      } else {
      }
      %add3A_243 = arith.constant 1 : i32
      %add3A_244 = arith.addi %add3A_230, %add3A_243 : i32
      %lt3A_245 = arith.constant 316 : i32
      %lt3A_246 = arith.cmpi slt, %add3A_244, %lt3A_245 : i32
      %convert_element_type3A_247 = arith.extui %lt3A_246 : i1 to i32
      %cond3A_248 = arith.constant 0 : i32
      %cond3A_249 = arith.cmpi ne, %convert_element_type3A_247, %cond3A_248 : i32
      scf.if %cond3A_249 {
        %add3A_409 = arith.constant 1 : i32
        %add3A_410 = arith.addi %add3A_230, %add3A_409 : i32
        %add3A_411 = arith.addi %mul3A_12, %add3A_410 : i32
        %mul3A_412 = arith.constant 32 : i32
        %mul3A_413 = arith.muli %add3A_411, %mul3A_412 : i32
        %dma_start3A_414 = arith.constant 0 : i32
        %dma_start3A_415 = tpu.memref_slice %arg4[%mul3A_413, %dma_start3A_414] : memref<323584x128xf32, #tpu.memory_space<hbm>> -> memref<32x128xf32, #tpu.memory_space<hbm>>
        %dma_start3A_416 = arith.constant 0 : i32
        %dma_start3A_417 = tpu.memref_slice %arg4[%mul3A_413, %dma_start3A_416] : memref<323584x128xf32, #tpu.memory_space<hbm>> -> memref<32x128xf32, #tpu.memory_space<hbm>>
        tpu.enqueue_dma source(%dma_start3A_417 : memref<32x128xf32, #tpu.memory_space<hbm>>) target(%arg17 : memref<32x128xf32, #tpu.memory_space<vmem>>) target_semaphore(%arg23 : memref<!tpu.dma_semaphore, #tpu.memory_space<semaphore_mem>>)
      } else {
      }
      %add3A_250 = arith.constant 2 : i32
      %add3A_251 = arith.addi %add3A_230, %add3A_250 : i32
      %lt3A_252 = arith.constant 316 : i32
      %lt3A_253 = arith.cmpi slt, %add3A_251, %lt3A_252 : i32
      %convert_element_type3A_254 = arith.extui %lt3A_253 : i1 to i32
      %cond3A_255 = arith.constant 0 : i32
      %cond3A_256 = arith.cmpi ne, %convert_element_type3A_254, %cond3A_255 : i32
      scf.if %cond3A_256 {
        %add3A_409 = arith.constant 2 : i32
        %add3A_410 = arith.addi %add3A_230, %add3A_409 : i32
        %add3A_411 = arith.addi %mul3A_12, %add3A_410 : i32
        %dma_start3A_412 = arith.constant 0 : i32
        %dma_start3A_413 = arith.constant 0 : i32
        %dma_start3A_414 = tpu.memref_slice %arg3[%add3A_411, %dma_start3A_412, %dma_start3A_413] : memref<10112x2x32xi32, #tpu.memory_space<hbm>> -> memref<1x2x32xi32, #tpu.memory_space<hbm>>
        %dma_start3A_415 = tpu.memref_squeeze %dma_start3A_414 : memref<1x2x32xi32, #tpu.memory_space<hbm>> -> memref<2x32xi32, #tpu.memory_space<hbm>>
        %dma_start3A_416 = arith.constant 0 : i32
        %dma_start3A_417 = arith.constant 0 : i32
        %dma_start3A_418 = tpu.memref_slice %arg3[%add3A_411, %dma_start3A_416, %dma_start3A_417] : memref<10112x2x32xi32, #tpu.memory_space<hbm>> -> memref<1x2x32xi32, #tpu.memory_space<hbm>>
        %dma_start3A_419 = tpu.memref_squeeze %dma_start3A_418 : memref<1x2x32xi32, #tpu.memory_space<hbm>> -> memref<2x32xi32, #tpu.memory_space<hbm>>
        tpu.enqueue_dma source(%dma_start3A_419 : memref<2x32xi32, #tpu.memory_space<hbm>>) target(%arg10 : memref<2x32xi32, #tpu.memory_space<vmem>>) target_semaphore(%arg26 : memref<!tpu.dma_semaphore, #tpu.memory_space<semaphore_mem>>)
      } else {
      }
      %dma_wait3A_257 = arith.constant 0 : i32
      %dma_wait3A_258 = arith.constant 0 : i32
      %dma_wait3A_259 = tpu.memref_slice %arg12[%dma_wait3A_257, %dma_wait3A_258] : memref<2x32xi32, #tpu.memory_space<vmem>> -> memref<1x32xi32, #tpu.memory_space<vmem>>
      %dma_wait3A_260 = tpu.memref_squeeze %dma_wait3A_259 : memref<1x32xi32, #tpu.memory_space<vmem>> -> memref<32xi32, #tpu.memory_space<vmem>>
      %dma_wait3A_261 = arith.constant 0 : i32
      %dma_wait3A_262 = arith.constant 0 : i32
      %dma_wait3A_263 = tpu.memref_slice %arg2[%dma_wait3A_261, %dma_wait3A_262] : memref<10000x128xf32, #tpu.memory_space<hbm>> -> memref<10000x128xf32, #tpu.memory_space<hbm>>
      tpu.wait_indirect_dma semaphore(%arg20 : memref<!tpu.dma_semaphore, #tpu.memory_space<semaphore_mem>>) src(%dma_wait3A_263 : memref<10000x128xf32, #tpu.memory_space<hbm>>) dst(%arg14 : memref<32x128xf32, #tpu.memory_space<vmem>>)
      %add3A_264 = arith.addi %mul3A_12, %add3A_230 : i32
      %mul3A_265 = arith.constant 32 : i32
      %mul3A_266 = arith.muli %add3A_264, %mul3A_265 : i32
      %dma_wait3A_267 = arith.constant 0 : i32
      %dma_wait3A_268 = tpu.memref_slice %arg4[%mul3A_266, %dma_wait3A_267] : memref<323584x128xf32, #tpu.memory_space<hbm>> -> memref<32x128xf32, #tpu.memory_space<hbm>>
      %dma_wait3A_269 = arith.constant 0 : i32
      %dma_wait3A_270 = tpu.memref_slice %arg4[%mul3A_266, %dma_wait3A_269] : memref<323584x128xf32, #tpu.memory_space<hbm>> -> memref<32x128xf32, #tpu.memory_space<hbm>>
      tpu.wait_dma2 semaphore(%arg22 : memref<!tpu.dma_semaphore, #tpu.memory_space<semaphore_mem>>) src(%dma_wait3A_270 : memref<32x128xf32, #tpu.memory_space<hbm>>) dst(%arg16 : memref<32x128xf32, #tpu.memory_space<vmem>>)
      %scan3A_271 = arith.constant 0 : i32
      %scan3A_272 = arith.constant 32 : i32
      %scan3A_273 = arith.addi %scan3A_271, %scan3A_272 : i32
      %scan3A_274 = arith.constant 1 : i32
      scf.for %scan3A_409 = %scan3A_271 to %scan3A_273 step %scan3A_274  : i32 {
        %mul3A_410 = arith.constant 1 : i32
        %mul3A_411 = arith.muli %scan3A_409, %mul3A_410 : i32
        %add3A_412 = arith.constant 0 : i32
        %add3A_413 = arith.addi %add3A_412, %mul3A_411 : i32
        %get3A_414 = arith.index_cast %add3A_413 : i32 to index
        %get3A_415 = arith.constant 0 : index
        %get3A_416 = tpu.vector_load %arg14[%get3A_414, %get3A_415] {strides = array<i32>} : memref<32x128xf32, #tpu.memory_space<vmem>>, vector<16xf32>,
        %get3A_417 = arith.index_cast %add3A_413 : i32 to index
        %get3A_418 = arith.constant 0 : index
        %get3A_419 = tpu.vector_load %arg16[%get3A_417, %get3A_418] {strides = array<i32>} : memref<32x128xf32, #tpu.memory_space<vmem>>, vector<16xf32>,
        %add3A_420 = arith.addf %get3A_416, %get3A_419 : vector<16xf32>
        %max3A = arith.constant 0.000000e+00 : f32
        %max3A_421 = vector.broadcast %max3A : f32 to vector<16xf32>
        %max3A_422 = arith.maximumf %add3A_420, %max3A_421 : vector<16xf32>
        %swap3A = arith.index_cast %add3A_413 : i32 to index
        %swap3A_423 = arith.constant 0 : index
        %swap3A_424 = tpu.vector_load %arg16[%swap3A, %swap3A_423] {strides = array<i32>} : memref<32x128xf32, #tpu.memory_space<vmem>>, vector<16xf32>,
        tpu.vector_store %arg16[%swap3A, %swap3A_423], %max3A_422 {strides = array<i32>} : memref<32x128xf32, #tpu.memory_space<vmem>>, vector<16xf32>,
        %get3A_425 = arith.index_cast %add3A_413 : i32 to index
        %get3A_426 = arith.constant 16 : index
        %get3A_427 = tpu.vector_load %arg14[%get3A_425, %get3A_426] {strides = array<i32>} : memref<32x128xf32, #tpu.memory_space<vmem>>, vector<16xf32>,
        %get3A_428 = arith.index_cast %add3A_413 : i32 to index
        %get3A_429 = arith.constant 16 : index
        %get3A_430 = tpu.vector_load %arg16[%get3A_428, %get3A_429] {strides = array<i32>} : memref<32x128xf32, #tpu.memory_space<vmem>>, vector<16xf32>,
        %add3A_431 = arith.addf %get3A_427, %get3A_430 : vector<16xf32>
        %max3A_432 = arith.constant 0.000000e+00 : f32
        %max3A_433 = vector.broadcast %max3A_432 : f32 to vector<16xf32>
        %max3A_434 = arith.maximumf %add3A_431, %max3A_433 : vector<16xf32>
        %swap3A_435 = arith.index_cast %add3A_413 : i32 to index
        %swap3A_436 = arith.constant 16 : index
        %swap3A_437 = tpu.vector_load %arg16[%swap3A_435, %swap3A_436] {strides = array<i32>} : memref<32x128xf32, #tpu.memory_space<vmem>>, vector<16xf32>,
        tpu.vector_store %arg16[%swap3A_435, %swap3A_436], %max3A_434 {strides = array<i32>} : memref<32x128xf32, #tpu.memory_space<vmem>>, vector<16xf32>,
        %get3A_438 = arith.index_cast %add3A_413 : i32 to index
        %get3A_439 = arith.constant 32 : index
        %get3A_440 = tpu.vector_load %arg14[%get3A_438, %get3A_439] {strides = array<i32>} : memref<32x128xf32, #tpu.memory_space<vmem>>, vector<16xf32>,
        %get3A_441 = arith.index_cast %add3A_413 : i32 to index
        %get3A_442 = arith.constant 32 : index
        %get3A_443 = tpu.vector_load %arg16[%get3A_441, %get3A_442] {strides = array<i32>} : memref<32x128xf32, #tpu.memory_space<vmem>>, vector<16xf32>,
        %add3A_444 = arith.addf %get3A_440, %get3A_443 : vector<16xf32>
        %max3A_445 = arith.constant 0.000000e+00 : f32
        %max3A_446 = vector.broadcast %max3A_445 : f32 to vector<16xf32>
        %max3A_447 = arith.maximumf %add3A_444, %max3A_446 : vector<16xf32>
        %swap3A_448 = arith.index_cast %add3A_413 : i32 to index
        %swap3A_449 = arith.constant 32 : index
        %swap3A_450 = tpu.vector_load %arg16[%swap3A_448, %swap3A_449] {strides = array<i32>} : memref<32x128xf32, #tpu.memory_space<vmem>>, vector<16xf32>,
        tpu.vector_store %arg16[%swap3A_448, %swap3A_449], %max3A_447 {strides = array<i32>} : memref<32x128xf32, #tpu.memory_space<vmem>>, vector<16xf32>,
        %get3A_451 = arith.index_cast %add3A_413 : i32 to index
        %get3A_452 = arith.constant 48 : index
        %get3A_453 = tpu.vector_load %arg14[%get3A_451, %get3A_452] {strides = array<i32>} : memref<32x128xf32, #tpu.memory_space<vmem>>, vector<16xf32>,
        %get3A_454 = arith.index_cast %add3A_413 : i32 to index
        %get3A_455 = arith.constant 48 : index
        %get3A_456 = tpu.vector_load %arg16[%get3A_454, %get3A_455] {strides = array<i32>} : memref<32x128xf32, #tpu.memory_space<vmem>>, vector<16xf32>,
        %add3A_457 = arith.addf %get3A_453, %get3A_456 : vector<16xf32>
        %max3A_458 = arith.constant 0.000000e+00 : f32
        %max3A_459 = vector.broadcast %max3A_458 : f32 to vector<16xf32>
        %max3A_460 = arith.maximumf %add3A_457, %max3A_459 : vector<16xf32>
        %swap3A_461 = arith.index_cast %add3A_413 : i32 to index
        %swap3A_462 = arith.constant 48 : index
        %swap3A_463 = tpu.vector_load %arg16[%swap3A_461, %swap3A_462] {strides = array<i32>} : memref<32x128xf32, #tpu.memory_space<vmem>>, vector<16xf32>,
        tpu.vector_store %arg16[%swap3A_461, %swap3A_462], %max3A_460 {strides = array<i32>} : memref<32x128xf32, #tpu.memory_space<vmem>>, vector<16xf32>,
        %get3A_464 = arith.index_cast %add3A_413 : i32 to index
        %get3A_465 = arith.constant 64 : index
        %get3A_466 = tpu.vector_load %arg14[%get3A_464, %get3A_465] {strides = array<i32>} : memref<32x128xf32, #tpu.memory_space<vmem>>, vector<16xf32>,
        %get3A_467 = arith.index_cast %add3A_413 : i32 to index
        %get3A_468 = arith.constant 64 : index
        %get3A_469 = tpu.vector_load %arg16[%get3A_467, %get3A_468] {strides = array<i32>} : memref<32x128xf32, #tpu.memory_space<vmem>>, vector<16xf32>,
        %add3A_470 = arith.addf %get3A_466, %get3A_469 : vector<16xf32>
        %max3A_471 = arith.constant 0.000000e+00 : f32
        %max3A_472 = vector.broadcast %max3A_471 : f32 to vector<16xf32>
        %max3A_473 = arith.maximumf %add3A_470, %max3A_472 : vector<16xf32>
        %swap3A_474 = arith.index_cast %add3A_413 : i32 to index
        %swap3A_475 = arith.constant 64 : index
        %swap3A_476 = tpu.vector_load %arg16[%swap3A_474, %swap3A_475] {strides = array<i32>} : memref<32x128xf32, #tpu.memory_space<vmem>>, vector<16xf32>,
        tpu.vector_store %arg16[%swap3A_474, %swap3A_475], %max3A_473 {strides = array<i32>} : memref<32x128xf32, #tpu.memory_space<vmem>>, vector<16xf32>,
        %get3A_477 = arith.index_cast %add3A_413 : i32 to index
        %get3A_478 = arith.constant 80 : index
        %get3A_479 = tpu.vector_load %arg14[%get3A_477, %get3A_478] {strides = array<i32>} : memref<32x128xf32, #tpu.memory_space<vmem>>, vector<16xf32>,
        %get3A_480 = arith.index_cast %add3A_413 : i32 to index
        %get3A_481 = arith.constant 80 : index
        %get3A_482 = tpu.vector_load %arg16[%get3A_480, %get3A_481] {strides = array<i32>} : memref<32x128xf32, #tpu.memory_space<vmem>>, vector<16xf32>,
        %add3A_483 = arith.addf %get3A_479, %get3A_482 : vector<16xf32>
        %max3A_484 = arith.constant 0.000000e+00 : f32
        %max3A_485 = vector.broadcast %max3A_484 : f32 to vector<16xf32>
        %max3A_486 = arith.maximumf %add3A_483, %max3A_485 : vector<16xf32>
        %swap3A_487 = arith.index_cast %add3A_413 : i32 to index
        %swap3A_488 = arith.constant 80 : index
        %swap3A_489 = tpu.vector_load %arg16[%swap3A_487, %swap3A_488] {strides = array<i32>} : memref<32x128xf32, #tpu.memory_space<vmem>>, vector<16xf32>,
        tpu.vector_store %arg16[%swap3A_487, %swap3A_488], %max3A_486 {strides = array<i32>} : memref<32x128xf32, #tpu.memory_space<vmem>>, vector<16xf32>,
        %get3A_490 = arith.index_cast %add3A_413 : i32 to index
        %get3A_491 = arith.constant 96 : index
        %get3A_492 = tpu.vector_load %arg14[%get3A_490, %get3A_491] {strides = array<i32>} : memref<32x128xf32, #tpu.memory_space<vmem>>, vector<16xf32>,
        %get3A_493 = arith.index_cast %add3A_413 : i32 to index
        %get3A_494 = arith.constant 96 : index
        %get3A_495 = tpu.vector_load %arg16[%get3A_493, %get3A_494] {strides = array<i32>} : memref<32x128xf32, #tpu.memory_space<vmem>>, vector<16xf32>,
        %add3A_496 = arith.addf %get3A_492, %get3A_495 : vector<16xf32>
        %max3A_497 = arith.constant 0.000000e+00 : f32
        %max3A_498 = vector.broadcast %max3A_497 : f32 to vector<16xf32>
        %max3A_499 = arith.maximumf %add3A_496, %max3A_498 : vector<16xf32>
        %swap3A_500 = arith.index_cast %add3A_413 : i32 to index
        %swap3A_501 = arith.constant 96 : index
        %swap3A_502 = tpu.vector_load %arg16[%swap3A_500, %swap3A_501] {strides = array<i32>} : memref<32x128xf32, #tpu.memory_space<vmem>>, vector<16xf32>,
        tpu.vector_store %arg16[%swap3A_500, %swap3A_501], %max3A_499 {strides = array<i32>} : memref<32x128xf32, #tpu.memory_space<vmem>>, vector<16xf32>,
        %get3A_503 = arith.index_cast %add3A_413 : i32 to index
        %get3A_504 = arith.constant 112 : index
        %get3A_505 = tpu.vector_load %arg14[%get3A_503, %get3A_504] {strides = array<i32>} : memref<32x128xf32, #tpu.memory_space<vmem>>, vector<16xf32>,
        %get3A_506 = arith.index_cast %add3A_413 : i32 to index
        %get3A_507 = arith.constant 112 : index
        %get3A_508 = tpu.vector_load %arg16[%get3A_506, %get3A_507] {strides = array<i32>} : memref<32x128xf32, #tpu.memory_space<vmem>>, vector<16xf32>,
        %add3A_509 = arith.addf %get3A_505, %get3A_508 : vector<16xf32>
        %max3A_510 = arith.constant 0.000000e+00 : f32
        %max3A_511 = vector.broadcast %max3A_510 : f32 to vector<16xf32>
        %max3A_512 = arith.maximumf %add3A_509, %max3A_511 : vector<16xf32>
        %swap3A_513 = arith.index_cast %add3A_413 : i32 to index
        %swap3A_514 = arith.constant 112 : index
        %swap3A_515 = tpu.vector_load %arg16[%swap3A_513, %swap3A_514] {strides = array<i32>} : memref<32x128xf32, #tpu.memory_space<vmem>>, vector<16xf32>,
        tpu.vector_store %arg16[%swap3A_513, %swap3A_514], %max3A_512 {strides = array<i32>} : memref<32x128xf32, #tpu.memory_space<vmem>>, vector<16xf32>,
      }
      %scan3A_275 = arith.constant 32 : i32
      %get3A_276 = arith.constant 1 : i32
      %get3A_277 = arith.index_cast %get3A_276 : i32 to index
      %get3A_278 = arith.constant 0 : index
      %get3A_279 = tpu.vector_load %arg12[%get3A_277, %get3A_278] {strides = array<i32>} : memref<2x32xi32, #tpu.memory_space<vmem>>, vector<16xi32>,
      %shift_right_logical3A_280 = arith.constant 1 : i32
      %shift_right_logical3A_281 = vector.broadcast %shift_right_logical3A_280 : i32 to vector<16xi32>
      %shift_right_logical3A_282 = arith.shrui %get3A_279, %shift_right_logical3A_281 : vector<16xi32>
      %and3A_283 = arith.constant 1 : i32
      %and3A_284 = vector.broadcast %and3A_283 : i32 to vector<16xi32>
      %and3A_285 = arith.andi %get3A_279, %and3A_284 : vector<16xi32>
      %eq3A_286 = arith.constant 1 : i32
      %eq3A_287 = vector.broadcast %eq3A_286 : i32 to vector<16xi32>
      %eq3A_288 = arith.cmpi eq, %and3A_285, %eq3A_287 : vector<16xi32>
      %jit3A_289 = arith.constant 65536 : i32
      %jit3A_290 = arith.constant 1 : i32
      %broadcast_in_dim3A_291 = vector.broadcast %jit3A_289 : i32 to vector<16xi32>
      %broadcast_in_dim3A_292 = vector.broadcast %jit3A_290 : i32 to vector<16xi32>
      %select_n3A_293 = arith.select %eq3A_288, %broadcast_in_dim3A_291, %broadcast_in_dim3A_292 : vector<16xi1>, vector<16xi32>
      tpu.vector_store_idx %arg18[%shift_right_logical3A_282], %select_n3A_293 {add = true} : memref<5120xi32, #tpu.memory_space<vmem>>[vector<16xi32>], vector<16xi32>,
      %get3A_294 = arith.constant 1 : i32
      %get3A_295 = arith.index_cast %get3A_294 : i32 to index
      %get3A_296 = arith.constant 16 : index
      %get3A_297 = tpu.vector_load %arg12[%get3A_295, %get3A_296] {strides = array<i32>} : memref<2x32xi32, #tpu.memory_space<vmem>>, vector<16xi32>,
      %shift_right_logical3A_298 = arith.constant 1 : i32
      %shift_right_logical3A_299 = vector.broadcast %shift_right_logical3A_298 : i32 to vector<16xi32>
      %shift_right_logical3A_300 = arith.shrui %get3A_297, %shift_right_logical3A_299 : vector<16xi32>
      %and3A_301 = arith.constant 1 : i32
      %and3A_302 = vector.broadcast %and3A_301 : i32 to vector<16xi32>
      %and3A_303 = arith.andi %get3A_297, %and3A_302 : vector<16xi32>
      %eq3A_304 = arith.constant 1 : i32
      %eq3A_305 = vector.broadcast %eq3A_304 : i32 to vector<16xi32>
      %eq3A_306 = arith.cmpi eq, %and3A_303, %eq3A_305 : vector<16xi32>
      %jit3A_307 = arith.constant 65536 : i32
      %jit3A_308 = arith.constant 1 : i32
      %broadcast_in_dim3A_309 = vector.broadcast %jit3A_307 : i32 to vector<16xi32>
      %broadcast_in_dim3A_310 = vector.broadcast %jit3A_308 : i32 to vector<16xi32>
      %select_n3A_311 = arith.select %eq3A_306, %broadcast_in_dim3A_309, %broadcast_in_dim3A_310 : vector<16xi1>, vector<16xi32>
      tpu.vector_store_idx %arg18[%shift_right_logical3A_300], %select_n3A_311 {add = true} : memref<5120xi32, #tpu.memory_space<vmem>>[vector<16xi32>], vector<16xi32>,
      %dma_start3A_312 = arith.constant 1 : i32
      %dma_start3A_313 = arith.constant 0 : i32
      %dma_start3A_314 = tpu.memref_slice %arg12[%dma_start3A_312, %dma_start3A_313] : memref<2x32xi32, #tpu.memory_space<vmem>> -> memref<1x32xi32, #tpu.memory_space<vmem>>
      %dma_start3A_315 = tpu.memref_squeeze %dma_start3A_314 : memref<1x32xi32, #tpu.memory_space<vmem>> -> memref<32xi32, #tpu.memory_space<vmem>>
      %dma_start3A_316 = arith.constant 0 : i32
      %dma_start3A_317 = arith.constant 0 : i32
      %dma_start3A_318 = tpu.memref_slice %arg19[%dma_start3A_316, %dma_start3A_317] : memref<10240x128xf32, #tpu.memory_space<vmem_shared>> -> memref<10240x128xf32, #tpu.memory_space<vmem_shared>>
      tpu.enqueue_indirect_dma source(%arg16 : memref<32x128xf32, #tpu.memory_space<vmem>>) target(%dma_start3A_318 : memref<10240x128xf32, #tpu.memory_space<vmem_shared>>) offsets(%dma_start3A_315 : memref<32xi32, #tpu.memory_space<vmem>>) semaphore(%arg24 : memref<!tpu.dma_semaphore, #tpu.memory_space<semaphore_mem>>) {add = true}
      %add3A_319 = arith.constant 3 : i32
      %add3A_320 = arith.addi %add3A_58, %add3A_319 : i32
      %add3A_321 = arith.constant 1 : i32
      %add3A_322 = arith.addi %add3A_320, %add3A_321 : i32
      %lt3A_323 = arith.constant 316 : i32
      %lt3A_324 = arith.cmpi slt, %add3A_322, %lt3A_323 : i32
      %convert_element_type3A_325 = arith.extui %lt3A_324 : i1 to i32
      %cond3A_326 = arith.constant 0 : i32
      %cond3A_327 = arith.cmpi ne, %convert_element_type3A_325, %cond3A_326 : i32
      scf.if %cond3A_327 {
        %add3A_409 = arith.constant 1 : i32
        %add3A_410 = arith.addi %add3A_320, %add3A_409 : i32
        %add3A_411 = arith.addi %mul3A_12, %add3A_410 : i32
        %dma_wait3A_412 = arith.constant 0 : i32
        %dma_wait3A_413 = arith.constant 0 : i32
        %dma_wait3A_414 = tpu.memref_slice %arg3[%add3A_411, %dma_wait3A_412, %dma_wait3A_413] : memref<10112x2x32xi32, #tpu.memory_space<hbm>> -> memref<1x2x32xi32, #tpu.memory_space<hbm>>
        %dma_wait3A_415 = tpu.memref_squeeze %dma_wait3A_414 : memref<1x2x32xi32, #tpu.memory_space<hbm>> -> memref<2x32xi32, #tpu.memory_space<hbm>>
        %dma_wait3A_416 = arith.constant 0 : i32
        %dma_wait3A_417 = arith.constant 0 : i32
        %dma_wait3A_418 = tpu.memref_slice %arg3[%add3A_411, %dma_wait3A_416, %dma_wait3A_417] : memref<10112x2x32xi32, #tpu.memory_space<hbm>> -> memref<1x2x32xi32, #tpu.memory_space<hbm>>
        %dma_wait3A_419 = tpu.memref_squeeze %dma_wait3A_418 : memref<1x2x32xi32, #tpu.memory_space<hbm>> -> memref<2x32xi32, #tpu.memory_space<hbm>>
        tpu.wait_dma2 semaphore(%arg26 : memref<!tpu.dma_semaphore, #tpu.memory_space<semaphore_mem>>) src(%dma_wait3A_419 : memref<2x32xi32, #tpu.memory_space<hbm>>) dst(%arg10 : memref<2x32xi32, #tpu.memory_space<vmem>>)
        %add3A_420 = arith.constant 1 : i32
        %add3A_421 = arith.addi %add3A_320, %add3A_420 : i32
        %dma_start3A_422 = arith.constant 0 : i32
        %dma_start3A_423 = arith.constant 0 : i32
        %dma_start3A_424 = tpu.memref_slice %arg10[%dma_start3A_422, %dma_start3A_423] : memref<2x32xi32, #tpu.memory_space<vmem>> -> memref<1x32xi32, #tpu.memory_space<vmem>>
        %dma_start3A_425 = tpu.memref_squeeze %dma_start3A_424 : memref<1x32xi32, #tpu.memory_space<vmem>> -> memref<32xi32, #tpu.memory_space<vmem>>
        %dma_start3A_426 = arith.constant 0 : i32
        %dma_start3A_427 = arith.constant 0 : i32
        %dma_start3A_428 = tpu.memref_slice %arg2[%dma_start3A_426, %dma_start3A_427] : memref<10000x128xf32, #tpu.memory_space<hbm>> -> memref<10000x128xf32, #tpu.memory_space<hbm>>
        tpu.enqueue_indirect_dma source(%dma_start3A_428 : memref<10000x128xf32, #tpu.memory_space<hbm>>) target(%arg14 : memref<32x128xf32, #tpu.memory_space<vmem>>) offsets(%dma_start3A_425 : memref<32xi32, #tpu.memory_space<vmem>>) semaphore(%arg20 : memref<!tpu.dma_semaphore, #tpu.memory_space<semaphore_mem>>)
      } else {
      }
      %ge3A_328 = arith.constant 1 : i32
      %ge3A_329 = arith.cmpi sge, %add3A_320, %ge3A_328 : i32
      %convert_element_type3A_330 = arith.extui %ge3A_329 : i1 to i32
      %cond3A_331 = arith.constant 0 : i32
      %cond3A_332 = arith.cmpi ne, %convert_element_type3A_330, %cond3A_331 : i32
      scf.if %cond3A_332 {
        %sub3A = arith.constant 1 : i32
        %sub3A_409 = arith.subi %add3A_320, %sub3A : i32
        %dma_wait3A_410 = arith.constant 1 : i32
        %dma_wait3A_411 = arith.constant 0 : i32
        %dma_wait3A_412 = tpu.memref_slice %arg12[%dma_wait3A_410, %dma_wait3A_411] : memref<2x32xi32, #tpu.memory_space<vmem>> -> memref<1x32xi32, #tpu.memory_space<vmem>>
        %dma_wait3A_413 = tpu.memref_squeeze %dma_wait3A_412 : memref<1x32xi32, #tpu.memory_space<vmem>> -> memref<32xi32, #tpu.memory_space<vmem>>
        %dma_wait3A_414 = arith.constant 0 : i32
        %dma_wait3A_415 = arith.constant 0 : i32
        %dma_wait3A_416 = tpu.memref_slice %arg19[%dma_wait3A_414, %dma_wait3A_415] : memref<10240x128xf32, #tpu.memory_space<vmem_shared>> -> memref<10240x128xf32, #tpu.memory_space<vmem_shared>>
        tpu.wait_indirect_dma semaphore(%arg24 : memref<!tpu.dma_semaphore, #tpu.memory_space<semaphore_mem>>) src(%arg16 : memref<32x128xf32, #tpu.memory_space<vmem>>) dst(%dma_wait3A_416 : memref<10240x128xf32, #tpu.memory_space<vmem_shared>>)
      } else {
      }
      %add3A_333 = arith.constant 1 : i32
      %add3A_334 = arith.addi %add3A_320, %add3A_333 : i32
      %lt3A_335 = arith.constant 316 : i32
      %lt3A_336 = arith.cmpi slt, %add3A_334, %lt3A_335 : i32
      %convert_element_type3A_337 = arith.extui %lt3A_336 : i1 to i32
      %cond3A_338 = arith.constant 0 : i32
      %cond3A_339 = arith.cmpi ne, %convert_element_type3A_337, %cond3A_338 : i32
      scf.if %cond3A_339 {
        %add3A_409 = arith.constant 1 : i32
        %add3A_410 = arith.addi %add3A_320, %add3A_409 : i32
        %add3A_411 = arith.addi %mul3A_12, %add3A_410 : i32
        %mul3A_412 = arith.constant 32 : i32
        %mul3A_413 = arith.muli %add3A_411, %mul3A_412 : i32
        %dma_start3A_414 = arith.constant 0 : i32
        %dma_start3A_415 = tpu.memref_slice %arg4[%mul3A_413, %dma_start3A_414] : memref<323584x128xf32, #tpu.memory_space<hbm>> -> memref<32x128xf32, #tpu.memory_space<hbm>>
        %dma_start3A_416 = arith.constant 0 : i32
        %dma_start3A_417 = tpu.memref_slice %arg4[%mul3A_413, %dma_start3A_416] : memref<323584x128xf32, #tpu.memory_space<hbm>> -> memref<32x128xf32, #tpu.memory_space<hbm>>
        tpu.enqueue_dma source(%dma_start3A_417 : memref<32x128xf32, #tpu.memory_space<hbm>>) target(%arg16 : memref<32x128xf32, #tpu.memory_space<vmem>>) target_semaphore(%arg22 : memref<!tpu.dma_semaphore, #tpu.memory_space<semaphore_mem>>)
      } else {
      }
      %add3A_340 = arith.constant 2 : i32
      %add3A_341 = arith.addi %add3A_320, %add3A_340 : i32
      %lt3A_342 = arith.constant 316 : i32
      %lt3A_343 = arith.cmpi slt, %add3A_341, %lt3A_342 : i32
      %convert_element_type3A_344 = arith.extui %lt3A_343 : i1 to i32
      %cond3A_345 = arith.constant 0 : i32
      %cond3A_346 = arith.cmpi ne, %convert_element_type3A_344, %cond3A_345 : i32
      scf.if %cond3A_346 {
        %add3A_409 = arith.constant 2 : i32
        %add3A_410 = arith.addi %add3A_320, %add3A_409 : i32
        %add3A_411 = arith.addi %mul3A_12, %add3A_410 : i32
        %dma_start3A_412 = arith.constant 0 : i32
        %dma_start3A_413 = arith.constant 0 : i32
        %dma_start3A_414 = tpu.memref_slice %arg3[%add3A_411, %dma_start3A_412, %dma_start3A_413] : memref<10112x2x32xi32, #tpu.memory_space<hbm>> -> memref<1x2x32xi32, #tpu.memory_space<hbm>>
        %dma_start3A_415 = tpu.memref_squeeze %dma_start3A_414 : memref<1x2x32xi32, #tpu.memory_space<hbm>> -> memref<2x32xi32, #tpu.memory_space<hbm>>
        %dma_start3A_416 = arith.constant 0 : i32
        %dma_start3A_417 = arith.constant 0 : i32
        %dma_start3A_418 = tpu.memref_slice %arg3[%add3A_411, %dma_start3A_416, %dma_start3A_417] : memref<10112x2x32xi32, #tpu.memory_space<hbm>> -> memref<1x2x32xi32, #tpu.memory_space<hbm>>
        %dma_start3A_419 = tpu.memref_squeeze %dma_start3A_418 : memref<1x2x32xi32, #tpu.memory_space<hbm>> -> memref<2x32xi32, #tpu.memory_space<hbm>>
        tpu.enqueue_dma source(%dma_start3A_419 : memref<2x32xi32, #tpu.memory_space<hbm>>) target(%arg11 : memref<2x32xi32, #tpu.memory_space<vmem>>) target_semaphore(%arg27 : memref<!tpu.dma_semaphore, #tpu.memory_space<semaphore_mem>>)
      } else {
      }
      %dma_wait3A_347 = arith.constant 0 : i32
      %dma_wait3A_348 = arith.constant 0 : i32
      %dma_wait3A_349 = tpu.memref_slice %arg13[%dma_wait3A_347, %dma_wait3A_348] : memref<2x32xi32, #tpu.memory_space<vmem>> -> memref<1x32xi32, #tpu.memory_space<vmem>>
      %dma_wait3A_350 = tpu.memref_squeeze %dma_wait3A_349 : memref<1x32xi32, #tpu.memory_space<vmem>> -> memref<32xi32, #tpu.memory_space<vmem>>
      %dma_wait3A_351 = arith.constant 0 : i32
      %dma_wait3A_352 = arith.constant 0 : i32
      %dma_wait3A_353 = tpu.memref_slice %arg2[%dma_wait3A_351, %dma_wait3A_352] : memref<10000x128xf32, #tpu.memory_space<hbm>> -> memref<10000x128xf32, #tpu.memory_space<hbm>>
      tpu.wait_indirect_dma semaphore(%arg21 : memref<!tpu.dma_semaphore, #tpu.memory_space<semaphore_mem>>) src(%dma_wait3A_353 : memref<10000x128xf32, #tpu.memory_space<hbm>>) dst(%arg15 : memref<32x128xf32, #tpu.memory_space<vmem>>)
      %add3A_354 = arith.addi %mul3A_12, %add3A_320 : i32
      %mul3A_355 = arith.constant 32 : i32
      %mul3A_356 = arith.muli %add3A_354, %mul3A_355 : i32
      %dma_wait3A_357 = arith.constant 0 : i32
      %dma_wait3A_358 = tpu.memref_slice %arg4[%mul3A_356, %dma_wait3A_357] : memref<323584x128xf32, #tpu.memory_space<hbm>> -> memref<32x128xf32, #tpu.memory_space<hbm>>
      %dma_wait3A_359 = arith.constant 0 : i32
      %dma_wait3A_360 = tpu.memref_slice %arg4[%mul3A_356, %dma_wait3A_359] : memref<323584x128xf32, #tpu.memory_space<hbm>> -> memref<32x128xf32, #tpu.memory_space<hbm>>
      tpu.wait_dma2 semaphore(%arg23 : memref<!tpu.dma_semaphore, #tpu.memory_space<semaphore_mem>>) src(%dma_wait3A_360 : memref<32x128xf32, #tpu.memory_space<hbm>>) dst(%arg17 : memref<32x128xf32, #tpu.memory_space<vmem>>)
      %scan3A_361 = arith.constant 0 : i32
      %scan3A_362 = arith.constant 32 : i32
      %scan3A_363 = arith.addi %scan3A_361, %scan3A_362 : i32
      %scan3A_364 = arith.constant 1 : i32
      scf.for %scan3A_409 = %scan3A_361 to %scan3A_363 step %scan3A_364  : i32 {
        %mul3A_410 = arith.constant 1 : i32
        %mul3A_411 = arith.muli %scan3A_409, %mul3A_410 : i32
        %add3A_412 = arith.constant 0 : i32
        %add3A_413 = arith.addi %add3A_412, %mul3A_411 : i32
        %get3A_414 = arith.index_cast %add3A_413 : i32 to index
        %get3A_415 = arith.constant 0 : index
        %get3A_416 = tpu.vector_load %arg15[%get3A_414, %get3A_415] {strides = array<i32>} : memref<32x128xf32, #tpu.memory_space<vmem>>, vector<16xf32>,
        %get3A_417 = arith.index_cast %add3A_413 : i32 to index
        %get3A_418 = arith.constant 0 : index
        %get3A_419 = tpu.vector_load %arg17[%get3A_417, %get3A_418] {strides = array<i32>} : memref<32x128xf32, #tpu.memory_space<vmem>>, vector<16xf32>,
        %add3A_420 = arith.addf %get3A_416, %get3A_419 : vector<16xf32>
        %max3A = arith.constant 0.000000e+00 : f32
        %max3A_421 = vector.broadcast %max3A : f32 to vector<16xf32>
        %max3A_422 = arith.maximumf %add3A_420, %max3A_421 : vector<16xf32>
        %swap3A = arith.index_cast %add3A_413 : i32 to index
        %swap3A_423 = arith.constant 0 : index
        %swap3A_424 = tpu.vector_load %arg17[%swap3A, %swap3A_423] {strides = array<i32>} : memref<32x128xf32, #tpu.memory_space<vmem>>, vector<16xf32>,
        tpu.vector_store %arg17[%swap3A, %swap3A_423], %max3A_422 {strides = array<i32>} : memref<32x128xf32, #tpu.memory_space<vmem>>, vector<16xf32>,
        %get3A_425 = arith.index_cast %add3A_413 : i32 to index
        %get3A_426 = arith.constant 16 : index
        %get3A_427 = tpu.vector_load %arg15[%get3A_425, %get3A_426] {strides = array<i32>} : memref<32x128xf32, #tpu.memory_space<vmem>>, vector<16xf32>,
        %get3A_428 = arith.index_cast %add3A_413 : i32 to index
        %get3A_429 = arith.constant 16 : index
        %get3A_430 = tpu.vector_load %arg17[%get3A_428, %get3A_429] {strides = array<i32>} : memref<32x128xf32, #tpu.memory_space<vmem>>, vector<16xf32>,
        %add3A_431 = arith.addf %get3A_427, %get3A_430 : vector<16xf32>
        %max3A_432 = arith.constant 0.000000e+00 : f32
        %max3A_433 = vector.broadcast %max3A_432 : f32 to vector<16xf32>
        %max3A_434 = arith.maximumf %add3A_431, %max3A_433 : vector<16xf32>
        %swap3A_435 = arith.index_cast %add3A_413 : i32 to index
        %swap3A_436 = arith.constant 16 : index
        %swap3A_437 = tpu.vector_load %arg17[%swap3A_435, %swap3A_436] {strides = array<i32>} : memref<32x128xf32, #tpu.memory_space<vmem>>, vector<16xf32>,
        tpu.vector_store %arg17[%swap3A_435, %swap3A_436], %max3A_434 {strides = array<i32>} : memref<32x128xf32, #tpu.memory_space<vmem>>, vector<16xf32>,
        %get3A_438 = arith.index_cast %add3A_413 : i32 to index
        %get3A_439 = arith.constant 32 : index
        %get3A_440 = tpu.vector_load %arg15[%get3A_438, %get3A_439] {strides = array<i32>} : memref<32x128xf32, #tpu.memory_space<vmem>>, vector<16xf32>,
        %get3A_441 = arith.index_cast %add3A_413 : i32 to index
        %get3A_442 = arith.constant 32 : index
        %get3A_443 = tpu.vector_load %arg17[%get3A_441, %get3A_442] {strides = array<i32>} : memref<32x128xf32, #tpu.memory_space<vmem>>, vector<16xf32>,
        %add3A_444 = arith.addf %get3A_440, %get3A_443 : vector<16xf32>
        %max3A_445 = arith.constant 0.000000e+00 : f32
        %max3A_446 = vector.broadcast %max3A_445 : f32 to vector<16xf32>
        %max3A_447 = arith.maximumf %add3A_444, %max3A_446 : vector<16xf32>
        %swap3A_448 = arith.index_cast %add3A_413 : i32 to index
        %swap3A_449 = arith.constant 32 : index
        %swap3A_450 = tpu.vector_load %arg17[%swap3A_448, %swap3A_449] {strides = array<i32>} : memref<32x128xf32, #tpu.memory_space<vmem>>, vector<16xf32>,
        tpu.vector_store %arg17[%swap3A_448, %swap3A_449], %max3A_447 {strides = array<i32>} : memref<32x128xf32, #tpu.memory_space<vmem>>, vector<16xf32>,
        %get3A_451 = arith.index_cast %add3A_413 : i32 to index
        %get3A_452 = arith.constant 48 : index
        %get3A_453 = tpu.vector_load %arg15[%get3A_451, %get3A_452] {strides = array<i32>} : memref<32x128xf32, #tpu.memory_space<vmem>>, vector<16xf32>,
        %get3A_454 = arith.index_cast %add3A_413 : i32 to index
        %get3A_455 = arith.constant 48 : index
        %get3A_456 = tpu.vector_load %arg17[%get3A_454, %get3A_455] {strides = array<i32>} : memref<32x128xf32, #tpu.memory_space<vmem>>, vector<16xf32>,
        %add3A_457 = arith.addf %get3A_453, %get3A_456 : vector<16xf32>
        %max3A_458 = arith.constant 0.000000e+00 : f32
        %max3A_459 = vector.broadcast %max3A_458 : f32 to vector<16xf32>
        %max3A_460 = arith.maximumf %add3A_457, %max3A_459 : vector<16xf32>
        %swap3A_461 = arith.index_cast %add3A_413 : i32 to index
        %swap3A_462 = arith.constant 48 : index
        %swap3A_463 = tpu.vector_load %arg17[%swap3A_461, %swap3A_462] {strides = array<i32>} : memref<32x128xf32, #tpu.memory_space<vmem>>, vector<16xf32>,
        tpu.vector_store %arg17[%swap3A_461, %swap3A_462], %max3A_460 {strides = array<i32>} : memref<32x128xf32, #tpu.memory_space<vmem>>, vector<16xf32>,
        %get3A_464 = arith.index_cast %add3A_413 : i32 to index
        %get3A_465 = arith.constant 64 : index
        %get3A_466 = tpu.vector_load %arg15[%get3A_464, %get3A_465] {strides = array<i32>} : memref<32x128xf32, #tpu.memory_space<vmem>>, vector<16xf32>,
        %get3A_467 = arith.index_cast %add3A_413 : i32 to index
        %get3A_468 = arith.constant 64 : index
        %get3A_469 = tpu.vector_load %arg17[%get3A_467, %get3A_468] {strides = array<i32>} : memref<32x128xf32, #tpu.memory_space<vmem>>, vector<16xf32>,
        %add3A_470 = arith.addf %get3A_466, %get3A_469 : vector<16xf32>
        %max3A_471 = arith.constant 0.000000e+00 : f32
        %max3A_472 = vector.broadcast %max3A_471 : f32 to vector<16xf32>
        %max3A_473 = arith.maximumf %add3A_470, %max3A_472 : vector<16xf32>
        %swap3A_474 = arith.index_cast %add3A_413 : i32 to index
        %swap3A_475 = arith.constant 64 : index
        %swap3A_476 = tpu.vector_load %arg17[%swap3A_474, %swap3A_475] {strides = array<i32>} : memref<32x128xf32, #tpu.memory_space<vmem>>, vector<16xf32>,
        tpu.vector_store %arg17[%swap3A_474, %swap3A_475], %max3A_473 {strides = array<i32>} : memref<32x128xf32, #tpu.memory_space<vmem>>, vector<16xf32>,
        %get3A_477 = arith.index_cast %add3A_413 : i32 to index
        %get3A_478 = arith.constant 80 : index
        %get3A_479 = tpu.vector_load %arg15[%get3A_477, %get3A_478] {strides = array<i32>} : memref<32x128xf32, #tpu.memory_space<vmem>>, vector<16xf32>,
        %get3A_480 = arith.index_cast %add3A_413 : i32 to index
        %get3A_481 = arith.constant 80 : index
        %get3A_482 = tpu.vector_load %arg17[%get3A_480, %get3A_481] {strides = array<i32>} : memref<32x128xf32, #tpu.memory_space<vmem>>, vector<16xf32>,
        %add3A_483 = arith.addf %get3A_479, %get3A_482 : vector<16xf32>
        %max3A_484 = arith.constant 0.000000e+00 : f32
        %max3A_485 = vector.broadcast %max3A_484 : f32 to vector<16xf32>
        %max3A_486 = arith.maximumf %add3A_483, %max3A_485 : vector<16xf32>
        %swap3A_487 = arith.index_cast %add3A_413 : i32 to index
        %swap3A_488 = arith.constant 80 : index
        %swap3A_489 = tpu.vector_load %arg17[%swap3A_487, %swap3A_488] {strides = array<i32>} : memref<32x128xf32, #tpu.memory_space<vmem>>, vector<16xf32>,
        tpu.vector_store %arg17[%swap3A_487, %swap3A_488], %max3A_486 {strides = array<i32>} : memref<32x128xf32, #tpu.memory_space<vmem>>, vector<16xf32>,
        %get3A_490 = arith.index_cast %add3A_413 : i32 to index
        %get3A_491 = arith.constant 96 : index
        %get3A_492 = tpu.vector_load %arg15[%get3A_490, %get3A_491] {strides = array<i32>} : memref<32x128xf32, #tpu.memory_space<vmem>>, vector<16xf32>,
        %get3A_493 = arith.index_cast %add3A_413 : i32 to index
        %get3A_494 = arith.constant 96 : index
        %get3A_495 = tpu.vector_load %arg17[%get3A_493, %get3A_494] {strides = array<i32>} : memref<32x128xf32, #tpu.memory_space<vmem>>, vector<16xf32>,
        %add3A_496 = arith.addf %get3A_492, %get3A_495 : vector<16xf32>
        %max3A_497 = arith.constant 0.000000e+00 : f32
        %max3A_498 = vector.broadcast %max3A_497 : f32 to vector<16xf32>
        %max3A_499 = arith.maximumf %add3A_496, %max3A_498 : vector<16xf32>
        %swap3A_500 = arith.index_cast %add3A_413 : i32 to index
        %swap3A_501 = arith.constant 96 : index
        %swap3A_502 = tpu.vector_load %arg17[%swap3A_500, %swap3A_501] {strides = array<i32>} : memref<32x128xf32, #tpu.memory_space<vmem>>, vector<16xf32>,
        tpu.vector_store %arg17[%swap3A_500, %swap3A_501], %max3A_499 {strides = array<i32>} : memref<32x128xf32, #tpu.memory_space<vmem>>, vector<16xf32>,
        %get3A_503 = arith.index_cast %add3A_413 : i32 to index
        %get3A_504 = arith.constant 112 : index
        %get3A_505 = tpu.vector_load %arg15[%get3A_503, %get3A_504] {strides = array<i32>} : memref<32x128xf32, #tpu.memory_space<vmem>>, vector<16xf32>,
        %get3A_506 = arith.index_cast %add3A_413 : i32 to index
        %get3A_507 = arith.constant 112 : index
        %get3A_508 = tpu.vector_load %arg17[%get3A_506, %get3A_507] {strides = array<i32>} : memref<32x128xf32, #tpu.memory_space<vmem>>, vector<16xf32>,
        %add3A_509 = arith.addf %get3A_505, %get3A_508 : vector<16xf32>
        %max3A_510 = arith.constant 0.000000e+00 : f32
        %max3A_511 = vector.broadcast %max3A_510 : f32 to vector<16xf32>
        %max3A_512 = arith.maximumf %add3A_509, %max3A_511 : vector<16xf32>
        %swap3A_513 = arith.index_cast %add3A_413 : i32 to index
        %swap3A_514 = arith.constant 112 : index
        %swap3A_515 = tpu.vector_load %arg17[%swap3A_513, %swap3A_514] {strides = array<i32>} : memref<32x128xf32, #tpu.memory_space<vmem>>, vector<16xf32>,
        tpu.vector_store %arg17[%swap3A_513, %swap3A_514], %max3A_512 {strides = array<i32>} : memref<32x128xf32, #tpu.memory_space<vmem>>, vector<16xf32>,
      }
      %scan3A_365 = arith.constant 32 : i32
      %get3A_366 = arith.constant 1 : i32
      %get3A_367 = arith.index_cast %get3A_366 : i32 to index
      %get3A_368 = arith.constant 0 : index
      %get3A_369 = tpu.vector_load %arg13[%get3A_367, %get3A_368] {strides = array<i32>} : memref<2x32xi32, #tpu.memory_space<vmem>>, vector<16xi32>,
      %shift_right_logical3A_370 = arith.constant 1 : i32
      %shift_right_logical3A_371 = vector.broadcast %shift_right_logical3A_370 : i32 to vector<16xi32>
      %shift_right_logical3A_372 = arith.shrui %get3A_369, %shift_right_logical3A_371 : vector<16xi32>
      %and3A_373 = arith.constant 1 : i32
      %and3A_374 = vector.broadcast %and3A_373 : i32 to vector<16xi32>
      %and3A_375 = arith.andi %get3A_369, %and3A_374 : vector<16xi32>
      %eq3A_376 = arith.constant 1 : i32
      %eq3A_377 = vector.broadcast %eq3A_376 : i32 to vector<16xi32>
      %eq3A_378 = arith.cmpi eq, %and3A_375, %eq3A_377 : vector<16xi32>
      %jit3A_379 = arith.constant 65536 : i32
      %jit3A_380 = arith.constant 1 : i32
      %broadcast_in_dim3A_381 = vector.broadcast %jit3A_379 : i32 to vector<16xi32>
      %broadcast_in_dim3A_382 = vector.broadcast %jit3A_380 : i32 to vector<16xi32>
      %select_n3A_383 = arith.select %eq3A_378, %broadcast_in_dim3A_381, %broadcast_in_dim3A_382 : vector<16xi1>, vector<16xi32>
      tpu.vector_store_idx %arg18[%shift_right_logical3A_372], %select_n3A_383 {add = true} : memref<5120xi32, #tpu.memory_space<vmem>>[vector<16xi32>], vector<16xi32>,
      %get3A_384 = arith.constant 1 : i32
      %get3A_385 = arith.index_cast %get3A_384 : i32 to index
      %get3A_386 = arith.constant 16 : index
      %get3A_387 = tpu.vector_load %arg13[%get3A_385, %get3A_386] {strides = array<i32>} : memref<2x32xi32, #tpu.memory_space<vmem>>, vector<16xi32>,
      %shift_right_logical3A_388 = arith.constant 1 : i32
      %shift_right_logical3A_389 = vector.broadcast %shift_right_logical3A_388 : i32 to vector<16xi32>
      %shift_right_logical3A_390 = arith.shrui %get3A_387, %shift_right_logical3A_389 : vector<16xi32>
      %and3A_391 = arith.constant 1 : i32
      %and3A_392 = vector.broadcast %and3A_391 : i32 to vector<16xi32>
      %and3A_393 = arith.andi %get3A_387, %and3A_392 : vector<16xi32>
      %eq3A_394 = arith.constant 1 : i32
      %eq3A_395 = vector.broadcast %eq3A_394 : i32 to vector<16xi32>
      %eq3A_396 = arith.cmpi eq, %and3A_393, %eq3A_395 : vector<16xi32>
      %jit3A_397 = arith.constant 65536 : i32
      %jit3A_398 = arith.constant 1 : i32
      %broadcast_in_dim3A_399 = vector.broadcast %jit3A_397 : i32 to vector<16xi32>
      %broadcast_in_dim3A_400 = vector.broadcast %jit3A_398 : i32 to vector<16xi32>
      %select_n3A_401 = arith.select %eq3A_396, %broadcast_in_dim3A_399, %broadcast_in_dim3A_400 : vector<16xi1>, vector<16xi32>
      tpu.vector_store_idx %arg18[%shift_right_logical3A_390], %select_n3A_401 {add = true} : memref<5120xi32, #tpu.memory_space<vmem>>[vector<16xi32>], vector<16xi32>,
      %dma_start3A_402 = arith.constant 1 : i32
      %dma_start3A_403 = arith.constant 0 : i32
      %dma_start3A_404 = tpu.memref_slice %arg13[%dma_start3A_402, %dma_start3A_403] : memref<2x32xi32, #tpu.memory_space<vmem>> -> memref<1x32xi32, #tpu.memory_space<vmem>>
      %dma_start3A_405 = tpu.memref_squeeze %dma_start3A_404 : memref<1x32xi32, #tpu.memory_space<vmem>> -> memref<32xi32, #tpu.memory_space<vmem>>
      %dma_start3A_406 = arith.constant 0 : i32
      %dma_start3A_407 = arith.constant 0 : i32
      %dma_start3A_408 = tpu.memref_slice %arg19[%dma_start3A_406, %dma_start3A_407] : memref<10240x128xf32, #tpu.memory_space<vmem_shared>> -> memref<10240x128xf32, #tpu.memory_space<vmem_shared>>
      tpu.enqueue_indirect_dma source(%arg17 : memref<32x128xf32, #tpu.memory_space<vmem>>) target(%dma_start3A_408 : memref<10240x128xf32, #tpu.memory_space<vmem_shared>>) offsets(%dma_start3A_405 : memref<32xi32, #tpu.memory_space<vmem>>) semaphore(%arg25 : memref<!tpu.dma_semaphore, #tpu.memory_space<semaphore_mem>>) {add = true}
    }
    %scan3A_41 = arith.constant 79 : i32
    %dma_wait3A = arith.constant 1 : i32
    %dma_wait3A_42 = arith.constant 0 : i32
    %dma_wait3A_43 = tpu.memref_slice %arg13[%dma_wait3A, %dma_wait3A_42] : memref<2x32xi32, #tpu.memory_space<vmem>> -> memref<1x32xi32, #tpu.memory_space<vmem>>
    %dma_wait3A_44 = tpu.memref_squeeze %dma_wait3A_43 : memref<1x32xi32, #tpu.memory_space<vmem>> -> memref<32xi32, #tpu.memory_space<vmem>>
    %dma_wait3A_45 = arith.constant 0 : i32
    %dma_wait3A_46 = arith.constant 0 : i32
    %dma_wait3A_47 = tpu.memref_slice %arg19[%dma_wait3A_45, %dma_wait3A_46] : memref<10240x128xf32, #tpu.memory_space<vmem_shared>> -> memref<10240x128xf32, #tpu.memory_space<vmem_shared>>
    tpu.wait_indirect_dma semaphore(%arg25 : memref<!tpu.dma_semaphore, #tpu.memory_space<semaphore_mem>>) src(%arg17 : memref<32x128xf32, #tpu.memory_space<vmem>>) dst(%dma_wait3A_47 : memref<10240x128xf32, #tpu.memory_space<vmem_shared>>)
    %barrier3A_48 = arith.constant 0 : index
    tpu.barrier barrier_id(%barrier3A_48)
    %scan3A_49 = arith.constant 0 : i32
    %scan3A_50 = arith.constant 20 : i32
    %scan3A_51 = arith.addi %scan3A_49, %scan3A_50 : i32
    %scan3A_52 = arith.constant 1 : i32
    scf.for %scan3A_54 = %scan3A_49 to %scan3A_51 step %scan3A_52  : i32 {
      %mul3A_55 = arith.constant 1 : i32
      %mul3A_56 = arith.muli %scan3A_54, %mul3A_55 : i32
      %add3A_57 = arith.constant 0 : i32
      %add3A_58 = arith.addi %add3A_57, %mul3A_56 : i32
      %mul3A_59 = arith.constant 640 : i32
      %mul3A_60 = arith.muli %arg1, %mul3A_59 : i32
      %mul3A_61 = arith.constant 32 : i32
      %mul3A_62 = arith.muli %add3A_58, %mul3A_61 : i32
      %add3A_63 = arith.addi %mul3A_60, %mul3A_62 : i32
      "tpu.region"() ({
        %run_scoped3A = tpu.sem_alloc : memref<!tpu.dma_semaphore, #tpu.memory_space<semaphore_mem>>
        %dma_start3A_67 = tpu.memref_slice %arg6[%add3A_63] : memref<10240xi32, #tpu.memory_space<hbm>> -> memref<32xi32, #tpu.memory_space<hbm>>
        %dma_start3A_68 = tpu.memref_slice %arg6[%add3A_63] : memref<10240xi32, #tpu.memory_space<hbm>> -> memref<32xi32, #tpu.memory_space<hbm>>
        tpu.enqueue_dma source(%dma_start3A_68 : memref<32xi32, #tpu.memory_space<hbm>>) target(%arg9 : memref<32xi32, #tpu.memory_space<vmem>>) target_semaphore(%run_scoped3A : memref<!tpu.dma_semaphore, #tpu.memory_space<semaphore_mem>>)
        %dma_wait3A_69 = tpu.memref_slice %arg6[%add3A_63] : memref<10240xi32, #tpu.memory_space<hbm>> -> memref<32xi32, #tpu.memory_space<hbm>>
        %dma_wait3A_70 = tpu.memref_slice %arg6[%add3A_63] : memref<10240xi32, #tpu.memory_space<hbm>> -> memref<32xi32, #tpu.memory_space<hbm>>
        tpu.wait_dma2 semaphore(%run_scoped3A : memref<!tpu.dma_semaphore, #tpu.memory_space<semaphore_mem>>) src(%dma_wait3A_70 : memref<32xi32, #tpu.memory_space<hbm>>) dst(%arg9 : memref<32xi32, #tpu.memory_space<vmem>>)
        tpu.yield
      }) : () -> ()
      "tpu.region"() ({
        %run_scoped3A = tpu.sem_alloc : memref<!tpu.dma_semaphore, #tpu.memory_space<semaphore_mem>>
        %dma_start3A_67 = arith.constant 0 : i32
        %dma_start3A_68 = arith.constant 0 : i32
        %dma_start3A_69 = tpu.memref_slice %arg14[%dma_start3A_67, %dma_start3A_68] : memref<32x128xf32, #tpu.memory_space<vmem>> -> memref<32x128xf32, #tpu.memory_space<vmem>>
        %dma_start3A_70 = arith.constant 0 : i32
        %dma_start3A_71 = arith.constant 0 : i32
        %dma_start3A_72 = tpu.memref_slice %arg19[%dma_start3A_70, %dma_start3A_71] : memref<10240x128xf32, #tpu.memory_space<vmem_shared>> -> memref<10240x128xf32, #tpu.memory_space<vmem_shared>>
        tpu.enqueue_indirect_dma source(%dma_start3A_72 : memref<10240x128xf32, #tpu.memory_space<vmem_shared>>) target(%dma_start3A_69 : memref<32x128xf32, #tpu.memory_space<vmem>>) offsets(%arg9 : memref<32xi32, #tpu.memory_space<vmem>>) semaphore(%run_scoped3A : memref<!tpu.dma_semaphore, #tpu.memory_space<semaphore_mem>>)
        %dma_wait3A_73 = arith.constant 0 : i32
        %dma_wait3A_74 = arith.constant 0 : i32
        %dma_wait3A_75 = tpu.memref_slice %arg14[%dma_wait3A_73, %dma_wait3A_74] : memref<32x128xf32, #tpu.memory_space<vmem>> -> memref<32x128xf32, #tpu.memory_space<vmem>>
        %dma_wait3A_76 = arith.constant 0 : i32
        %dma_wait3A_77 = arith.constant 0 : i32
        %dma_wait3A_78 = tpu.memref_slice %arg19[%dma_wait3A_76, %dma_wait3A_77] : memref<10240x128xf32, #tpu.memory_space<vmem_shared>> -> memref<10240x128xf32, #tpu.memory_space<vmem_shared>>
        tpu.wait_indirect_dma semaphore(%run_scoped3A : memref<!tpu.dma_semaphore, #tpu.memory_space<semaphore_mem>>) src(%dma_wait3A_78 : memref<10240x128xf32, #tpu.memory_space<vmem_shared>>) dst(%dma_wait3A_75 : memref<32x128xf32, #tpu.memory_space<vmem>>)
        tpu.yield
      }) : () -> ()
      %mul3A_64 = arith.constant 10240 : i32
      %mul3A_65 = arith.muli %arg0, %mul3A_64 : i32
      %add3A_66 = arith.addi %mul3A_65, %add3A_63 : i32
      "tpu.region"() ({
        %run_scoped3A = tpu.sem_alloc : memref<!tpu.dma_semaphore, #tpu.memory_space<semaphore_mem>>
        %dma_start3A_67 = arith.constant 0 : i32
        %dma_start3A_68 = arith.constant 0 : i32
        %dma_start3A_69 = tpu.memref_slice %arg14[%dma_start3A_67, %dma_start3A_68] : memref<32x128xf32, #tpu.memory_space<vmem>> -> memref<32x128xf32, #tpu.memory_space<vmem>>
        %dma_start3A_70 = arith.constant 0 : i32
        %dma_start3A_71 = tpu.memref_slice %arg7[%add3A_66, %dma_start3A_70] : memref<20480x128xf32, #tpu.memory_space<hbm>> -> memref<32x128xf32, #tpu.memory_space<hbm>>
        %dma_start3A_72 = arith.constant 0 : i32
        %dma_start3A_73 = tpu.memref_slice %arg7[%add3A_66, %dma_start3A_72] : memref<20480x128xf32, #tpu.memory_space<hbm>> -> memref<32x128xf32, #tpu.memory_space<hbm>>
        %dma_start3A_74 = arith.constant 0 : i32
        %dma_start3A_75 = arith.constant 0 : i32
        %dma_start3A_76 = tpu.memref_slice %arg14[%dma_start3A_74, %dma_start3A_75] : memref<32x128xf32, #tpu.memory_space<vmem>> -> memref<32x128xf32, #tpu.memory_space<vmem>>
        tpu.enqueue_dma source(%dma_start3A_76 : memref<32x128xf32, #tpu.memory_space<vmem>>) target(%dma_start3A_73 : memref<32x128xf32, #tpu.memory_space<hbm>>) target_semaphore(%run_scoped3A : memref<!tpu.dma_semaphore, #tpu.memory_space<semaphore_mem>>)
        %dma_wait3A_77 = arith.constant 0 : i32
        %dma_wait3A_78 = arith.constant 0 : i32
        %dma_wait3A_79 = tpu.memref_slice %arg14[%dma_wait3A_77, %dma_wait3A_78] : memref<32x128xf32, #tpu.memory_space<vmem>> -> memref<32x128xf32, #tpu.memory_space<vmem>>
        %dma_wait3A_80 = arith.constant 0 : i32
        %dma_wait3A_81 = tpu.memref_slice %arg7[%add3A_66, %dma_wait3A_80] : memref<20480x128xf32, #tpu.memory_space<hbm>> -> memref<32x128xf32, #tpu.memory_space<hbm>>
        %dma_wait3A_82 = arith.constant 0 : i32
        %dma_wait3A_83 = tpu.memref_slice %arg7[%add3A_66, %dma_wait3A_82] : memref<20480x128xf32, #tpu.memory_space<hbm>> -> memref<32x128xf32, #tpu.memory_space<hbm>>
        %dma_wait3A_84 = arith.constant 0 : i32
        %dma_wait3A_85 = arith.constant 0 : i32
        %dma_wait3A_86 = tpu.memref_slice %arg14[%dma_wait3A_84, %dma_wait3A_85] : memref<32x128xf32, #tpu.memory_space<vmem>> -> memref<32x128xf32, #tpu.memory_space<vmem>>
        tpu.wait_dma2 semaphore(%run_scoped3A : memref<!tpu.dma_semaphore, #tpu.memory_space<semaphore_mem>>) src(%dma_wait3A_86 : memref<32x128xf32, #tpu.memory_space<vmem>>) dst(%dma_wait3A_83 : memref<32x128xf32, #tpu.memory_space<hbm>>)
        tpu.yield
      }) : () -> ()
    }
    %scan3A_53 = arith.constant 20 : i32
    "tpu.region"() ({
      %run_scoped3A = tpu.sem_alloc : memref<!tpu.dma_semaphore, #tpu.memory_space<semaphore_mem>>
      %dma_start3A_54 = arith.constant 0 : i32
      %dma_start3A_55 = tpu.memref_slice %arg8[%add3A, %dma_start3A_54] : memref<32x5120xi32, #tpu.memory_space<hbm>> -> memref<1x5120xi32, #tpu.memory_space<hbm>>
      %dma_start3A_56 = tpu.memref_squeeze %dma_start3A_55 : memref<1x5120xi32, #tpu.memory_space<hbm>> -> memref<5120xi32, #tpu.memory_space<hbm>>
      %dma_start3A_57 = arith.constant 0 : i32
      %dma_start3A_58 = tpu.memref_slice %arg8[%add3A, %dma_start3A_57] : memref<32x5120xi32, #tpu.memory_space<hbm>> -> memref<1x5120xi32, #tpu.memory_space<hbm>>
      %dma_start3A_59 = tpu.memref_squeeze %dma_start3A_58 : memref<1x5120xi32, #tpu.memory_space<hbm>> -> memref<5120xi32, #tpu.memory_space<hbm>>
      tpu.enqueue_dma source(%arg18 : memref<5120xi32, #tpu.memory_space<vmem>>) target(%dma_start3A_59 : memref<5120xi32, #tpu.memory_space<hbm>>) target_semaphore(%run_scoped3A : memref<!tpu.dma_semaphore, #tpu.memory_space<semaphore_mem>>)
      %dma_wait3A_60 = arith.constant 0 : i32
      %dma_wait3A_61 = tpu.memref_slice %arg8[%add3A, %dma_wait3A_60] : memref<32x5120xi32, #tpu.memory_space<hbm>> -> memref<1x5120xi32, #tpu.memory_space<hbm>>
      %dma_wait3A_62 = tpu.memref_squeeze %dma_wait3A_61 : memref<1x5120xi32, #tpu.memory_space<hbm>> -> memref<5120xi32, #tpu.memory_space<hbm>>
      %dma_wait3A_63 = arith.constant 0 : i32
      %dma_wait3A_64 = tpu.memref_slice %arg8[%add3A, %dma_wait3A_63] : memref<32x5120xi32, #tpu.memory_space<hbm>> -> memref<1x5120xi32, #tpu.memory_space<hbm>>
      %dma_wait3A_65 = tpu.memref_squeeze %dma_wait3A_64 : memref<1x5120xi32, #tpu.memory_space<hbm>> -> memref<5120xi32, #tpu.memory_space<hbm>>
      tpu.wait_dma2 semaphore(%run_scoped3A : memref<!tpu.dma_semaphore, #tpu.memory_space<semaphore_mem>>) src(%arg18 : memref<5120xi32, #tpu.memory_space<vmem>>) dst(%dma_wait3A_65 : memref<5120xi32, #tpu.memory_space<hbm>>)
      tpu.yield
    }) : () -> ()
    return
  }
}

module attributes {stable_mosaic.version = 14 : i64} {
  func.func @_matmul_kernel(%arg0: i32, %arg1: memref<2000x128xf32, #tpu.memory_space<vmem>>, %arg2: memref<128x128xf32, #tpu.memory_space<vmem>>, %arg3: memref<2000x128xf32, #tpu.memory_space<vmem>>) attributes {dimension_semantics = [#tpu.dimension_semantics<arbitrary>], iteration_bounds = array<i64: 5>, scalar_prefetch = 0 : i64, scratch_operands = 0 : i64, tpu.core_type = #tpu.core_type<tc>, window_params = [{transform_indices = @transform_0, window_bounds = array<i64: 2000, 128>}, {pipeline_mode = #tpu.pipeline_mode<synchronous>, transform_indices = @transform_1, window_bounds = array<i64: 128, 128>}, {transform_indices = @transform_2, window_bounds = array<i64: 2000, 128>}]} {
    %get3A = arith.constant 0 : index
    %get3A_0 = arith.constant 0 : index
    %get3A_1 = vector.load %arg1[%get3A, %get3A_0] : memref<2000x128xf32, #tpu.memory_space<vmem>>, vector<2000x128xf32>
    %get3A_2 = arith.constant 0 : index
    %get3A_3 = arith.constant 0 : index
    %get3A_4 = vector.load %arg2[%get3A_2, %get3A_3] : memref<128x128xf32, #tpu.memory_space<vmem>>, vector<128x128xf32>
    %dot_general3A = arith.constant dense<0.000000e+00> : vector<2000x128xf32>
    %dot_general3A_5 = tpu.matmul %get3A_1, %get3A_4, %dot_general3A {dimension_numbers = #tpu.dot_dimension_numbers<[1], [0], [0], [1], [0, 0, 1, 1], [], []>, transpose_lhs_hint = false} : vector<2000x128xf32>, vector<128x128xf32>, vector<2000x128xf32> -> vector<2000x128xf32>
    %swap3A = arith.constant 0 : index
    %swap3A_6 = arith.constant 0 : index
    %swap3A_7 = vector.load %arg3[%swap3A, %swap3A_6] : memref<2000x128xf32, #tpu.memory_space<vmem>>, vector<2000x128xf32>
    tpu.vector_store %arg3[%swap3A, %swap3A_6], %dot_general3A_5 {strides = array<i32>} : memref<2000x128xf32, #tpu.memory_space<vmem>>, vector<2000x128xf32>,
    return
  }
  func.func @transform_0(%arg0: i32) -> (i32, i32) {
    %c0_i32 = arith.constant 0 : i32
    %c0_i32_0 = arith.constant 0 : i32
    return %arg0, %c0_i32 : i32, i32
  }
  func.func @transform_1(%arg0: i32) -> (i32, i32) {
    %c0_i32 = arith.constant 0 : i32
    %c0_i32_0 = arith.constant 0 : i32
    %c0_i32_1 = arith.constant 0 : i32
    return %c0_i32, %c0_i32_0 : i32, i32
  }
  func.func @transform_2(%arg0: i32) -> (i32, i32) {
    %c0_i32 = arith.constant 0 : i32
    %c0_i32_0 = arith.constant 0 : i32
    return %arg0, %c0_i32 : i32, i32
  }
}

module attributes {stable_mosaic.version = 14 : i64} {
  func.func @_edge_mlp_kernel(%arg0: i32, %arg1: memref<2048x16xf32, #tpu.memory_space<vmem>>, %arg2: memref<16x128xf32, #tpu.memory_space<vmem>>, %arg3: memref<1x128xf32, #tpu.memory_space<vmem>>, %arg4: memref<2048x128xf32, #tpu.memory_space<vmem>>) attributes {dimension_semantics = [#tpu.dimension_semantics<arbitrary>], iteration_bounds = array<i64: 158>, scalar_prefetch = 0 : i64, scratch_operands = 0 : i64, tpu.core_type = #tpu.core_type<tc>, window_params = [{transform_indices = @transform_0, window_bounds = array<i64: 2048, 16>}, {pipeline_mode = #tpu.pipeline_mode<synchronous>, transform_indices = @transform_1, window_bounds = array<i64: 16, 128>}, {pipeline_mode = #tpu.pipeline_mode<synchronous>, transform_indices = @transform_2, window_bounds = array<i64: 1, 128>}, {transform_indices = @transform_3, window_bounds = array<i64: 2048, 128>}]} {
    %get3A = arith.constant 0 : index
    %get3A_0 = arith.constant 0 : index
    %get3A_1 = vector.load %arg1[%get3A, %get3A_0] : memref<2048x16xf32, #tpu.memory_space<vmem>>, vector<2048x16xf32>
    %get3A_2 = arith.constant 0 : index
    %get3A_3 = arith.constant 0 : index
    %get3A_4 = vector.load %arg2[%get3A_2, %get3A_3] : memref<16x128xf32, #tpu.memory_space<vmem>>, vector<16x128xf32>
    %dot_general3A = arith.constant dense<0.000000e+00> : vector<2048x128xf32>
    %dot_general3A_5 = tpu.matmul %get3A_1, %get3A_4, %dot_general3A {dimension_numbers = #tpu.dot_dimension_numbers<[1], [0], [0], [1], [0, 0, 1, 1], [], []>, transpose_lhs_hint = false} : vector<2048x16xf32>, vector<16x128xf32>, vector<2048x128xf32> -> vector<2048x128xf32>
    %get3A_6 = arith.constant 0 : index
    %get3A_7 = arith.constant 0 : index
    %get3A_8 = vector.load %arg3[%get3A_6, %get3A_7] : memref<1x128xf32, #tpu.memory_space<vmem>>, vector<1x128xf32>
    %add3A = vector.broadcast %get3A_8 : vector<1x128xf32> to vector<2048x128xf32>
    %add3A_9 = arith.addf %dot_general3A_5, %add3A : vector<2048x128xf32>
    %swap3A = arith.constant 0 : index
    %swap3A_10 = arith.constant 0 : index
    %swap3A_11 = vector.load %arg4[%swap3A, %swap3A_10] : memref<2048x128xf32, #tpu.memory_space<vmem>>, vector<2048x128xf32>
    tpu.vector_store %arg4[%swap3A, %swap3A_10], %add3A_9 {strides = array<i32>} : memref<2048x128xf32, #tpu.memory_space<vmem>>, vector<2048x128xf32>,
    return
  }
  func.func @transform_0(%arg0: i32) -> (i32, i32) {
    %c0_i32 = arith.constant 0 : i32
    %c0_i32_0 = arith.constant 0 : i32
    return %arg0, %c0_i32 : i32, i32
  }
  func.func @transform_1(%arg0: i32) -> (i32, i32) {
    %c0_i32 = arith.constant 0 : i32
    %c0_i32_0 = arith.constant 0 : i32
    %c0_i32_1 = arith.constant 0 : i32
    return %c0_i32, %c0_i32_0 : i32, i32
  }
  func.func @transform_2(%arg0: i32) -> (i32, i32) {
    %c0_i32 = arith.constant 0 : i32
    %c0_i32_0 = arith.constant 0 : i32
    %c0_i32_1 = arith.constant 0 : i32
    return %c0_i32, %c0_i32_0 : i32, i32
  }
  func.func @transform_3(%arg0: i32) -> (i32, i32) {
    %c0_i32 = arith.constant 0 : i32
    %c0_i32_0 = arith.constant 0 : i32
    return %arg0, %c0_i32 : i32, i32
  }
}

module attributes {stable_mosaic.version = 14 : i64} {
  func.func @_count_reduce_kernel(%arg0: i32, %arg1: memref<32x1024xi32, #tpu.memory_space<vmem>>, %arg2: memref<1024x2xf32, #tpu.memory_space<vmem>>) attributes {dimension_semantics = [#tpu.dimension_semantics<arbitrary>], iteration_bounds = array<i64: 5>, scalar_prefetch = 0 : i64, scratch_operands = 0 : i64, tpu.core_type = #tpu.core_type<tc>, window_params = [{transform_indices = @transform_0, window_bounds = array<i64: 32, 1024>}, {transform_indices = @transform_1, window_bounds = array<i64: 1024, 2>}]} {
    %get3A = arith.constant 0 : index
    %get3A_0 = arith.constant 0 : index
    %get3A_1 = vector.load %arg1[%get3A, %get3A_0] : memref<32x1024xi32, #tpu.memory_space<vmem>>, vector<32x1024xi32>
    %and3A = arith.constant 65535 : i32
    %and3A_2 = vector.broadcast %and3A : i32 to vector<32x1024xi32>
    %and3A_3 = arith.andi %get3A_1, %and3A_2 : vector<32x1024xi32>
    %reduce_sum3A = arith.constant dense<0> : vector<1024xi32>
    %reduce_sum3A_4 = vector.multi_reduction <add>, %and3A_3, %reduce_sum3A [0] : vector<32x1024xi32> to vector<1024xi32>
    %shift_right_logical3A = arith.constant 16 : i32
    %shift_right_logical3A_5 = vector.broadcast %shift_right_logical3A : i32 to vector<32x1024xi32>
    %shift_right_logical3A_6 = arith.shrui %get3A_1, %shift_right_logical3A_5 : vector<32x1024xi32>
    %reduce_sum3A_7 = arith.constant dense<0> : vector<1024xi32>
    %reduce_sum3A_8 = vector.multi_reduction <add>, %shift_right_logical3A_6, %reduce_sum3A_7 [0] : vector<32x1024xi32> to vector<1024xi32>
    %stack3A = vector.shape_cast %reduce_sum3A_4 : vector<1024xi32> to vector<1024x1xi32>
    %stack3A_9 = vector.shape_cast %reduce_sum3A_8 : vector<1024xi32> to vector<1024x1xi32>
    %stack3A_10 = tpu.concatenate %stack3A, %stack3A_9 in 1 : vector<1024x1xi32>, vector<1024x1xi32> -> vector<1024x2xi32>
    %convert_element_type3A = arith.sitofp %stack3A_10 : vector<1024x2xi32> to vector<1024x2xf32>
    %swap3A = arith.constant 0 : index
    %swap3A_11 = arith.constant 0 : index
    %swap3A_12 = vector.load %arg2[%swap3A, %swap3A_11] : memref<1024x2xf32, #tpu.memory_space<vmem>>, vector<1024x2xf32>
    tpu.vector_store %arg2[%swap3A, %swap3A_11], %convert_element_type3A {strides = array<i32>} : memref<1024x2xf32, #tpu.memory_space<vmem>>, vector<1024x2xf32>,
    return
  }
  func.func @transform_0(%arg0: i32) -> (i32, i32) {
    %c0_i32 = arith.constant 0 : i32
    %c0_i32_0 = arith.constant 0 : i32
    return %c0_i32, %arg0 : i32, i32
  }
  func.func @transform_1(%arg0: i32) -> (i32, i32) {
    %c0_i32 = arith.constant 0 : i32
    %c0_i32_0 = arith.constant 0 : i32
    return %arg0, %c0_i32 : i32, i32
  }
}

module attributes {stable_mosaic.version = 14 : i64} {
  func.func @_node_mlp_kernel(%arg0: i32, %arg1: memref<2000x128xf32, #tpu.memory_space<vmem>>, %arg2: memref<2000x128xf32, #tpu.memory_space<vmem>>, %arg3: memref<2000x128xf32, #tpu.memory_space<vmem>>, %arg4: memref<2000x1xf32, #tpu.memory_space<vmem>>, %arg5: memref<2000x1xi32, #tpu.memory_space<vmem>>, %arg6: memref<8x16xf32, #tpu.memory_space<vmem>>, %arg7: memref<128x128xf32, #tpu.memory_space<vmem>>, %arg8: memref<1x128xf32, #tpu.memory_space<vmem>>, %arg9: memref<128x128xf32, #tpu.memory_space<vmem>>, %arg10: memref<128x128xf32, #tpu.memory_space<vmem>>, %arg11: memref<16x128xf32, #tpu.memory_space<vmem>>, %arg12: memref<1x128xf32, #tpu.memory_space<vmem>>, %arg13: memref<128x128xf32, #tpu.memory_space<vmem>>, %arg14: memref<1x128xf32, #tpu.memory_space<vmem>>, %arg15: memref<2000x128xf32, #tpu.memory_space<vmem>>) attributes {dimension_semantics = [#tpu.dimension_semantics<arbitrary>], iteration_bounds = array<i64: 5>, scalar_prefetch = 0 : i64, scratch_operands = 0 : i64, tpu.core_type = #tpu.core_type<tc>, window_params = [{transform_indices = @transform_0, window_bounds = array<i64: 2000, 128>}, {transform_indices = @transform_1, window_bounds = array<i64: 2000, 128>}, {transform_indices = @transform_2, window_bounds = array<i64: 2000, 128>}, {transform_indices = @transform_3, window_bounds = array<i64: 2000, 1>}, {transform_indices = @transform_4, window_bounds = array<i64: 2000, 1>}, {pipeline_mode = #tpu.pipeline_mode<synchronous>, transform_indices = @transform_5, window_bounds = array<i64: 8, 16>}, {pipeline_mode = #tpu.pipeline_mode<synchronous>, transform_indices = @transform_6, window_bounds = array<i64: 128, 128>}, {pipeline_mode = #tpu.pipeline_mode<synchronous>, transform_indices = @transform_7, window_bounds = array<i64: 1, 128>}, {pipeline_mode = #tpu.pipeline_mode<synchronous>, transform_indices = @transform_8, window_bounds = array<i64: 128, 128>}, {pipeline_mode = #tpu.pipeline_mode<synchronous>, transform_indices = @transform_9, window_bounds = array<i64: 128, 128>}, {pipeline_mode = #tpu.pipeline_mode<synchronous>, transform_indices = @transform_10, window_bounds = array<i64: 16, 128>}, {pipeline_mode = #tpu.pipeline_mode<synchronous>, transform_indices = @transform_11, window_bounds = array<i64: 1, 128>}, {pipeline_mode = #tpu.pipeline_mode<synchronous>, transform_indices = @transform_12, window_bounds = array<i64: 128, 128>}, {pipeline_mode = #tpu.pipeline_mode<synchronous>, transform_indices = @transform_13, window_bounds = array<i64: 1, 128>}, {transform_indices = @transform_14, window_bounds = array<i64: 2000, 128>}]} {
    %get3A = arith.constant 0 : index
    %get3A_0 = arith.constant 0 : index
    %get3A_1 = vector.load %arg2[%get3A, %get3A_0] : memref<2000x128xf32, #tpu.memory_space<vmem>>, vector<2000x128xf32>
    %get3A_2 = arith.constant 0 : index
    %get3A_3 = arith.constant 0 : index
    %get3A_4 = vector.load %arg3[%get3A_2, %get3A_3] : memref<2000x128xf32, #tpu.memory_space<vmem>>, vector<2000x128xf32>
    %add3A = arith.addf %get3A_1, %get3A_4 : vector<2000x128xf32>
    %get3A_5 = arith.constant 0 : index
    %get3A_6 = arith.constant 0 : index
    %get3A_7 = vector.load %arg4[%get3A_5, %get3A_6] : memref<2000x1xf32, #tpu.memory_space<vmem>>, vector<2000x1xf32>
    %max3A = arith.constant 1.000000e+00 : f32
    %max3A_8 = vector.broadcast %max3A : f32 to vector<2000x1xf32>
    %max3A_9 = arith.maximumf %get3A_7, %max3A_8 : vector<2000x1xf32>
    %div3A = vector.broadcast %max3A_9 : vector<2000x1xf32> to vector<2000x128xf32>
    %div3A_10 = arith.divf %add3A, %div3A : vector<2000x128xf32>
    %get3A_11 = arith.constant 0 : index
    %get3A_12 = arith.constant 0 : index
    %get3A_13 = vector.load %arg7[%get3A_11, %get3A_12] : memref<128x128xf32, #tpu.memory_space<vmem>>, vector<128x128xf32>
    %dot_general3A = arith.constant dense<0.000000e+00> : vector<2000x128xf32>
    %dot_general3A_14 = tpu.matmul %div3A_10, %get3A_13, %dot_general3A {dimension_numbers = #tpu.dot_dimension_numbers<[1], [0], [0], [1], [0, 0, 1, 1], [], []>, transpose_lhs_hint = false} : vector<2000x128xf32>, vector<128x128xf32>, vector<2000x128xf32> -> vector<2000x128xf32>
    %gt3A = arith.constant 0.000000e+00 : f32
    %gt3A_15 = vector.broadcast %gt3A : f32 to vector<2000x1xf32>
    %gt3A_16 = arith.cmpf ogt, %get3A_7, %gt3A_15 : vector<2000x1xf32>
    %jit3A = arith.constant 1.000000e+00 : f32
    %jit3A_17 = arith.constant 0.000000e+00 : f32
    %broadcast_in_dim3A = vector.broadcast %jit3A : f32 to vector<2000x1xf32>
    %broadcast_in_dim3A_18 = vector.broadcast %jit3A_17 : f32 to vector<2000x1xf32>
    %select_n3A = arith.select %gt3A_16, %broadcast_in_dim3A, %broadcast_in_dim3A_18 : vector<2000x1xi1>, vector<2000x1xf32>
    %get3A_19 = arith.constant 0 : index
    %get3A_20 = arith.constant 0 : index
    %get3A_21 = vector.load %arg8[%get3A_19, %get3A_20] : memref<1x128xf32, #tpu.memory_space<vmem>>, vector<1x128xf32>
    %mul3A = vector.broadcast %select_n3A : vector<2000x1xf32> to vector<2000x128xf32>
    %mul3A_22 = vector.broadcast %get3A_21 : vector<1x128xf32> to vector<2000x128xf32>
    %mul3A_23 = arith.mulf %mul3A, %mul3A_22 : vector<2000x128xf32>
    %add3A_24 = arith.addf %dot_general3A_14, %mul3A_23 : vector<2000x128xf32>
    %get3A_25 = arith.constant 0 : index
    %get3A_26 = arith.constant 0 : index
    %get3A_27 = vector.load %arg5[%get3A_25, %get3A_26] : memref<2000x1xi32, #tpu.memory_space<vmem>>, vector<2000x1xi32>
    %iota3A = tpu.iota {dimensions = array<i32: 1>} : vector<2000x8xi32>
    %eq3A = vector.broadcast %get3A_27 : vector<2000x1xi32> to vector<2000x8xi32>
    %eq3A_28 = arith.cmpi eq, %eq3A, %iota3A : vector<2000x8xi32>
    %convert_element_type3A = arith.extui %eq3A_28 : vector<2000x8xi1> to vector<2000x8xi32>
    %convert_element_type3A_29 = arith.sitofp %convert_element_type3A : vector<2000x8xi32> to vector<2000x8xf32>
    %get3A_30 = arith.constant 0 : index
    %get3A_31 = arith.constant 0 : index
    %get3A_32 = vector.load %arg6[%get3A_30, %get3A_31] : memref<8x16xf32, #tpu.memory_space<vmem>>, vector<8x16xf32>
    %get3A_33 = arith.constant 0 : index
    %get3A_34 = arith.constant 0 : index
    %get3A_35 = vector.load %arg11[%get3A_33, %get3A_34] : memref<16x128xf32, #tpu.memory_space<vmem>>, vector<16x128xf32>
    %dot_general3A_36 = arith.constant dense<0.000000e+00> : vector<8x128xf32>
    %dot_general3A_37 = tpu.matmul %get3A_32, %get3A_35, %dot_general3A_36 {dimension_numbers = #tpu.dot_dimension_numbers<[1], [0], [0], [1], [0, 0, 1, 1], [], []>, transpose_lhs_hint = false} : vector<8x16xf32>, vector<16x128xf32>, vector<8x128xf32> -> vector<8x128xf32>
    %dot_general3A_38 = arith.constant dense<0.000000e+00> : vector<2000x128xf32>
    %dot_general3A_39 = tpu.matmul %convert_element_type3A_29, %dot_general3A_37, %dot_general3A_38 {dimension_numbers = #tpu.dot_dimension_numbers<[1], [0], [0], [1], [0, 0, 1, 1], [], []>, transpose_lhs_hint = false} : vector<2000x8xf32>, vector<8x128xf32>, vector<2000x128xf32> -> vector<2000x128xf32>
    %get3A_40 = arith.constant 0 : index
    %get3A_41 = arith.constant 0 : index
    %get3A_42 = vector.load %arg1[%get3A_40, %get3A_41] : memref<2000x128xf32, #tpu.memory_space<vmem>>, vector<2000x128xf32>
    %get3A_43 = arith.constant 0 : index
    %get3A_44 = arith.constant 0 : index
    %get3A_45 = vector.load %arg9[%get3A_43, %get3A_44] : memref<128x128xf32, #tpu.memory_space<vmem>>, vector<128x128xf32>
    %dot_general3A_46 = arith.constant dense<0.000000e+00> : vector<2000x128xf32>
    %dot_general3A_47 = tpu.matmul %get3A_42, %get3A_45, %dot_general3A_46 {dimension_numbers = #tpu.dot_dimension_numbers<[1], [0], [0], [1], [0, 0, 1, 1], [], []>, transpose_lhs_hint = false} : vector<2000x128xf32>, vector<128x128xf32>, vector<2000x128xf32> -> vector<2000x128xf32>
    %get3A_48 = arith.constant 0 : index
    %get3A_49 = arith.constant 0 : index
    %get3A_50 = vector.load %arg10[%get3A_48, %get3A_49] : memref<128x128xf32, #tpu.memory_space<vmem>>, vector<128x128xf32>
    %dot_general3A_51 = arith.constant dense<0.000000e+00> : vector<2000x128xf32>
    %dot_general3A_52 = tpu.matmul %add3A_24, %get3A_50, %dot_general3A_51 {dimension_numbers = #tpu.dot_dimension_numbers<[1], [0], [0], [1], [0, 0, 1, 1], [], []>, transpose_lhs_hint = false} : vector<2000x128xf32>, vector<128x128xf32>, vector<2000x128xf32> -> vector<2000x128xf32>
    %add3A_53 = arith.addf %dot_general3A_47, %dot_general3A_52 : vector<2000x128xf32>
    %add3A_54 = arith.addf %add3A_53, %dot_general3A_39 : vector<2000x128xf32>
    %get3A_55 = arith.constant 0 : index
    %get3A_56 = arith.constant 0 : index
    %get3A_57 = vector.load %arg12[%get3A_55, %get3A_56] : memref<1x128xf32, #tpu.memory_space<vmem>>, vector<1x128xf32>
    %add3A_58 = vector.broadcast %get3A_57 : vector<1x128xf32> to vector<2000x128xf32>
    %add3A_59 = arith.addf %add3A_54, %add3A_58 : vector<2000x128xf32>
    %max3A_60 = arith.constant 0.000000e+00 : f32
    %max3A_61 = vector.broadcast %max3A_60 : f32 to vector<2000x128xf32>
    %max3A_62 = arith.maximumf %add3A_59, %max3A_61 : vector<2000x128xf32>
    %get3A_63 = arith.constant 0 : index
    %get3A_64 = arith.constant 0 : index
    %get3A_65 = vector.load %arg13[%get3A_63, %get3A_64] : memref<128x128xf32, #tpu.memory_space<vmem>>, vector<128x128xf32>
    %dot_general3A_66 = arith.constant dense<0.000000e+00> : vector<2000x128xf32>
    %dot_general3A_67 = tpu.matmul %max3A_62, %get3A_65, %dot_general3A_66 {dimension_numbers = #tpu.dot_dimension_numbers<[1], [0], [0], [1], [0, 0, 1, 1], [], []>, transpose_lhs_hint = false} : vector<2000x128xf32>, vector<128x128xf32>, vector<2000x128xf32> -> vector<2000x128xf32>
    %get3A_68 = arith.constant 0 : index
    %get3A_69 = arith.constant 0 : index
    %get3A_70 = vector.load %arg14[%get3A_68, %get3A_69] : memref<1x128xf32, #tpu.memory_space<vmem>>, vector<1x128xf32>
    %add3A_71 = vector.broadcast %get3A_70 : vector<1x128xf32> to vector<2000x128xf32>
    %add3A_72 = arith.addf %dot_general3A_67, %add3A_71 : vector<2000x128xf32>
    %swap3A = arith.constant 0 : index
    %swap3A_73 = arith.constant 0 : index
    %swap3A_74 = vector.load %arg15[%swap3A, %swap3A_73] : memref<2000x128xf32, #tpu.memory_space<vmem>>, vector<2000x128xf32>
    tpu.vector_store %arg15[%swap3A, %swap3A_73], %add3A_72 {strides = array<i32>} : memref<2000x128xf32, #tpu.memory_space<vmem>>, vector<2000x128xf32>,
    return
  }
  func.func @transform_0(%arg0: i32) -> (i32, i32) {
    %c0_i32 = arith.constant 0 : i32
    %c0_i32_0 = arith.constant 0 : i32
    return %arg0, %c0_i32 : i32, i32
  }
  func.func @transform_1(%arg0: i32) -> (i32, i32) {
    %c0_i32 = arith.constant 0 : i32
    %c0_i32_0 = arith.constant 0 : i32
    return %arg0, %c0_i32 : i32, i32
  }
  func.func @transform_2(%arg0: i32) -> (i32, i32) {
    %c0_i32 = arith.constant 0 : i32
    %c0_i32_0 = arith.constant 0 : i32
    return %arg0, %c0_i32 : i32, i32
  }
  func.func @transform_3(%arg0: i32) -> (i32, i32) {
    %c0_i32 = arith.constant 0 : i32
    %c0_i32_0 = arith.constant 0 : i32
    return %arg0, %c0_i32 : i32, i32
  }
  func.func @transform_4(%arg0: i32) -> (i32, i32) {
    %c0_i32 = arith.constant 0 : i32
    %c0_i32_0 = arith.constant 0 : i32
    return %arg0, %c0_i32 : i32, i32
  }
  func.func @transform_5(%arg0: i32) -> (i32, i32) {
    %c0_i32 = arith.constant 0 : i32
    %c0_i32_0 = arith.constant 0 : i32
    %c0_i32_1 = arith.constant 0 : i32
    return %c0_i32, %c0_i32_0 : i32, i32
  }
  func.func @transform_6(%arg0: i32) -> (i32, i32) {
    %c0_i32 = arith.constant 0 : i32
    %c0_i32_0 = arith.constant 0 : i32
    %c0_i32_1 = arith.constant 0 : i32
    return %c0_i32, %c0_i32_0 : i32, i32
  }
  func.func @transform_7(%arg0: i32) -> (i32, i32) {
    %c0_i32 = arith.constant 0 : i32
    %c0_i32_0 = arith.constant 0 : i32
    %c0_i32_1 = arith.constant 0 : i32
    return %c0_i32, %c0_i32_0 : i32, i32
  }
  func.func @transform_8(%arg0: i32) -> (i32, i32) {
    %c0_i32 = arith.constant 0 : i32
    %c0_i32_0 = arith.constant 0 : i32
    %c0_i32_1 = arith.constant 0 : i32
    return %c0_i32, %c0_i32_0 : i32, i32
  }
  func.func @transform_9(%arg0: i32) -> (i32, i32) {
    %c0_i32 = arith.constant 0 : i32
    %c0_i32_0 = arith.constant 0 : i32
    %c0_i32_1 = arith.constant 0 : i32
    return %c0_i32, %c0_i32_0 : i32, i32
  }
  func.func @transform_10(%arg0: i32) -> (i32, i32) {
    %c0_i32 = arith.constant 0 : i32
    %c0_i32_0 = arith.constant 0 : i32
    %c0_i32_1 = arith.constant 0 : i32
    return %c0_i32, %c0_i32_0 : i32, i32
  }
  func.func @transform_11(%arg0: i32) -> (i32, i32) {
    %c0_i32 = arith.constant 0 : i32
    %c0_i32_0 = arith.constant 0 : i32
    %c0_i32_1 = arith.constant 0 : i32
    return %c0_i32, %c0_i32_0 : i32, i32
  }
  func.func @transform_12(%arg0: i32) -> (i32, i32) {
    %c0_i32 = arith.constant 0 : i32
    %c0_i32_0 = arith.constant 0 : i32
    %c0_i32_1 = arith.constant 0 : i32
    return %c0_i32, %c0_i32_0 : i32, i32
  }
  func.func @transform_13(%arg0: i32) -> (i32, i32) {
    %c0_i32 = arith.constant 0 : i32
    %c0_i32_0 = arith.constant 0 : i32
    %c0_i32_1 = arith.constant 0 : i32
    return %c0_i32, %c0_i32_0 : i32, i32
  }
  func.func @transform_14(%arg0: i32) -> (i32, i32) {
    %c0_i32 = arith.constant 0 : i32
    %c0_i32_0 = arith.constant 0 : i32
    return %arg0, %c0_i32 : i32, i32
  }
}

</mosaic_0001>

<sc_bundles>
// kernel: kernel.7.cloned.1.call-start
scs
__scs_entry_jumppad:
0x0: {  	(pc) =	sbr.rel $0x88, $3  }
0x1: {  	(tag) =	ssettag $0x0;
	lr =	simm.s32 $0x1  }
0x2: {  	[smem:$0x3F94] =	sst lr;
	_ =	strace $0xD0000000  }
0x3: {  	_ = 	snop  }
0x4: {  	_ = 	snop  }
0x5: {  	_ = 	snop  }
0x6: {  	_ = 	snop  }
0x7: {  	_ = 	snop  }
__scs_overlays_trampoline_lowered:
0x8: {  	[smem:$0x3FA3] =	sst s0  }
0x9: {  	[smem:$0x3FA4] =	sst s1  }
0xa: {  	[smem:$0x3FA5] =	sst s2  }
0xb: {  	[smem:$0x3FA6] =	sst s3  }
0xc: {  	[smem:$0x3FA7] =	sst s4  }
0xd: {  	[smem:$0x3FA8] =	sst s5  }
0xe: {  	[smem:$0x3FA9] =	sst s6  }
0xf: {  	[smem:$0x3FAA] =	sst s7  }
0x10: {  	[smem:$0x3FAB] =	sst s8  }
0x11: {  	[smem:$0x3FAC] =	sst s9;
	s0 =	simm.s32 @!p0 $0x0  }
0x12: {  	s1 =	sld [smem:$0x3F92];
	s0 =	simm.s32 @p0 $0x1  }
0x13: {  	[smem:$0x3FAD] =	sst s0;
	s0 =	simm.s32 @!p1 $0x0  }
0x14: {  	s2 =	sld [smem:$0x3F91];
	s0 =	simm.s32 @p1 $0x1  }
0x15: {  	[smem:$0x3FAE] =	sst s0;
	s0 =	simm.s32 @!p2 $0x0  }
0x16: {  	s3 =	sld [smem:$0x3FDB];
	s0 =	simm.s32 @p2 $0x1  }
0x17: {  	s4 =	simm.s32 $0x1BF5;
	[smem:$0x3FB0] =	sst s0  }
0x18: {  	s0 =	sld [smem:$0x3F93];
	_ =	swait.ge [sflag:s4], $0x0  }
0x19: {  	s7 =	sld [smem:$0x3F94]  }
0x1a: {  	s8 =	sadd.s32 $0xFFFFE003, lr  }
0x1b: {  	s9 =	sadd.s32 $0xFFFFFEF7, lr;
	s5 =	simm.s32 $0xFFFFFFFF;
	p2 =	slt.u32 s8, $0xFFFFF086  }
0x1c: {  	p1 =	slt.u32 s9, $0xF7A;
	s5 =	simm.s32 @!p2 $0x0  }
0x1d: {  	s5 =	simm.s32 @p1 $0x1;
	p0 =	seq.s32 s7, s2  }
0x1e: {  	s7 =	smul.u32 @!p0 $0xF7A, s2;
	p2 =	seq.s32 @!p0 s5, $0x0  }
0x1f: {  	s9 =	smul.u32 $0xF7A, s1;
	s8 =	simm.s32 @!p0 $0x1BF5;
	p2 =	por !p2, p0  }
0x20: {  	[sflag:s8] =	ssyncset.s32 @!p0 $0xFFFFF086;
	s6 =	sadd.s32 @!p0 s3, s7;
	s7 =	simm.s32 @!p0 $0x108  }
0x21: {  	s3 =	sadd.s32 s3, s9;
	s6 =	sadd.s32 @!p0 $0x88, s6;
	s7 =	simm.s32 @p2 $0x1082  }
0x22: {  	[simem:s7], [sflag:s8] =	dma.local @!p0 [hbm:s6], $0xF7A  }
0x23: {  	s9 =	sor.u32 $0xD0000000, s2;
	s6 =	simm.s32 $0x108;
	_ =	swait.ge @!p0 [sflag:s8], $0x0  }
0x24: {  	s3 =	sadd.s32 $0x88, s3;
	s6 =	simm.s32 @!p1 $0x1082;
	[sflag:s4] =	ssyncset.s32 $0xFFFFF086  }
0x25: {  	[simem:s6], [sflag:s4] =	dma.local [hbm:s3], $0xF7A  }
0x26: {  	[smem:$0x3F94] =	sst s1;
	(tag) =	ssettag s2;
	_ =	strace s9  }
0x27: {  	s1 =	sld [smem:$0x3FA4]  }
0x28: {  	s2 =	sld [smem:$0x3FA5]  }
0x29: {  	s4 =	sld [smem:$0x3FA7]  }
0x2a: {  	p0 =	seq.s32 s5, $0x0;
	s5 =	sld [smem:$0x3FA8]  }
0x2b: {  	s6 =	sld [smem:$0x3FA9]  }
0x2c: {  	s7 =	sld [smem:$0x3FAA]  }
0x2d: {  	s3 =	simm.s32 $0x108;
	s8 =	sld [smem:$0x3FAB]  }
0x2e: {  	s3 =	simm.s32 @!p0 $0x1082;
	s9 =	sld [smem:$0x3FAC]  }
0x2f: {  	lr =	sadd.s32 s0, s3;
	s0 =	sld [smem:$0x3FA3]  }
0x30: {  	s3 =	sld [smem:$0x3FA6]  }
0x31: {  	[smem:$0x3FAF] =	sst s10  }
0x32: {  	s10 =	sld [smem:$0x3FAD];
	_ =	sdelay $0x3  }
0x33: {  	p0 =	seq.s32 s10, $0x1;
	s10 =	sld [smem:$0x3FAF];
	_ =	sdelay $0x3  }
0x34: {  	[smem:$0x3FAF] =	sst s10  }
0x35: {  	s10 =	sld [smem:$0x3FAE];
	_ =	sdelay $0x3  }
0x36: {  	p1 =	seq.s32 s10, $0x1;
	s10 =	sld [smem:$0x3FAF];
	_ =	sdelay $0x3  }
0x37: {  	[smem:$0x3FAF] =	sst s10  }
0x38: {  	s10 =	sld [smem:$0x3FB0]  }
0x39: {  	_ = 	snop;
	(pc) =	sbr.ind lr, $3  }
0x3a: {  	_ = 	snop  }
0x3b: {  	_ = 	snop  }
0x3c: {  	p2 =	seq.s32 s10, $0x1;
	s10 =	sld [smem:$0x3FAF]  }
0x3d: {  	_ =	shalt  }
0x3e: {  	_ =	shalt  }
0x3f: {  	_ =	shalt  }
0x40: {  	_ =	shalt  }
0x41: {  	_ =	shalt  }
0x42: {  	_ =	shalt  }
0x43: {  	_ =	shalt  }
0x44: {  	_ =	shalt  }
0x45: {  	_ =	shalt  }
0x46: {  	_ =	shalt  }
0x47: {  	_ =	shalt  }
0x48: {  	_ =	shalt  }
0x49: {  	_ =	shalt  }
0x4a: {  	_ =	shalt  }
0x4b: {  	_ =	shalt  }
0x4c: {  	_ =	shalt  }
0x4d: {  	_ =	shalt  }
0x4e: {  	_ =	shalt  }
0x4f: {  	_ =	shalt  }
0x50: {  	_ =	shalt  }
0x51: {  	_ =	shalt  }
0x52: {  	_ =	shalt  }
0x53: {  	_ =	shalt  }
0x54: {  	_ =	shalt  }
0x55: {  	_ =	shalt  }
0x56: {  	_ =	shalt  }
0x57: {  	_ =	shalt  }
0x58: {  	_ =	shalt  }
0x59: {  	_ =	shalt  }
0x5a: {  	_ =	shalt  }
0x5b: {  	_ =	shalt  }
0x5c: {  	_ =	shalt  }
0x5d: {  	_ =	shalt  }
0x5e: {  	_ =	shalt  }
0x5f: {  	_ =	shalt  }
0x60: {  	_ =	shalt  }
0x61: {  	_ =	shalt  }
0x62: {  	_ =	shalt  }
0x63: {  	_ =	shalt  }
0x64: {  	_ =	shalt  }
0x65: {  	_ =	shalt  }
0x66: {  	_ =	shalt  }
0x67: {  	_ =	shalt  }
0x68: {  	_ =	shalt  }
0x69: {  	_ =	shalt  }
0x6a: {  	_ =	shalt  }
0x6b: {  	_ =	shalt  }
0x6c: {  	_ =	shalt  }
0x6d: {  	_ =	shalt  }
0x6e: {  	_ =	shalt  }
0x6f: {  	_ =	shalt  }
0x70: {  	_ =	shalt  }
0x71: {  	_ =	shalt  }
0x72: {  	_ =	shalt  }
0x73: {  	_ =	shalt  }
0x74: {  	_ =	shalt  }
0x75: {  	_ =	shalt  }
0x76: {  	_ =	shalt  }
0x77: {  	_ =	shalt  }
0x78: {  	_ =	shalt  }
0x79: {  	_ =	shalt  }
0x7a: {  	_ =	shalt  }
0x7b: {  	_ =	shalt  }
0x7c: {  	_ =	shalt  }
0x7d: {  	_ =	shalt  }
0x7e: {  	_ =	shalt  }
0x7f: {  	_ =	shalt  }
0x80: {  	_ =	shalt  }
0x81: {  	_ =	shalt  }
0x82: {  	_ =	shalt  }
0x83: {  	_ =	shalt  }
0x84: {  	_ =	shalt  }
0x85: {  	_ =	shalt  }
0x86: {  	_ =	shalt  }
0x87: {  	_ =	shalt  }
.Lfunc_end0:
.L_simem_size_0:
called_computation_lowered:
.L_overlay_start_0:
0x88: {  	s2 =	sld [smem:$0x3FD9]  }
0x89: {  	s3 =	sld [smem:$0x3FFE];
	_ =	sdelay $0x1  }
0x8a: {  	s1 =	srdreg.scid  }
0x8b: {  	s0 =	sand.u32 $0x1, s1  }
0x8c: {  	s17 =	sshll.u32 s0, $0xA;
	s2 =	sadd.s32 s3, s2  }
0x8d: {  	s2 =	sadd.s32 s2, s17  }
0x8e: {  	[smem:$0x3FBB] =	sst s2  }
0x8f: {  	_ = 	snop  }
0x90: {  	s2 =	sld [smem:$0x3FD0];
	(tm) =	ssettm $0x1  }
0x91: {  	s18 =	sld [smem:$0x3FFB];
	_ =	sdelay $0x3  }
0x92: {  	_ =	strace s18  }
0x93: {  	s3 =	sld [smem:$0x3FFC];
	_ =	sdelay $0x3  }
0x94: {  	_ =	strace s3  }
0x95: {  	s3 =	sld [smem:$0x3FFD];
	_ =	sdelay $0x3  }
0x96: {  	_ =	strace s3  }
0x97: {  	_ =	strace $0x8FFFFFFF  }
0x98: {  	s19 =	sld [smem:$0x3FDB];
	_ =	sdelay $0x1  }
0x99: {  	s4 =	simm.s32 $_scs_section_size  }
0x9a: {  	s5 =	simm.s32 $_size__tile_overlayer_lowered;
	s6 =	simm.s32 $_tile_overlayer_lowered  }
0x9b: {  	s22 =	simm.s32 $0x1BFF;
	s21 =	sshll.u32 s6, $0x1;
	s3 =	sadd.s32 s4, s19  }
0x9c: {  	s7 =	simm.s32 $0x0;
	s20 =	sshll.u32 s5, $0x1;
	s5 =	sadd.s32 s21, s3  }
0x9d: {  	[timem:s7], [sflag:s22] =	dma.local [hbm:s5], s20  }
0x9e: {  	_ =	swait.ge [sflag:s22], s20  }
0x9f: {  	s4 =	ssub.s32 $0x0, s20;
	[sflag:s22] =	ssyncset.done $0x0  }
0xa0: {  	[sflag:s22] =	ssyncadd.s32 s4;
	_ =	sdelay $0x1  }
0xa1: {  	s23 =	simm.s32 $0x1B8B  }
0xa2: {  	_ =	swait.ge [sflag:s23], $0x1  }
0xa3: {  	[sflag:s23] =	ssyncset.done $0x0  }
0xa4: {  	s25 =	simm.s32 $0x1B8E;
	s24 =	sld [smem:$0x3FFE];
	[sflag:s23] =	ssyncadd.s32 $0xFFFFFFFF  }
0xa5: {  	s26 =	simm.s32 $execute0_lowered;
	[smem:$0x3FD2] =	sst s25  }
0xa6: {  	s5 =	sshll.u32 s26, $0x1;
	_ =	strace $0x80000046;
	[dreg:$0x1] =	wrdreg $0xFFFFFFFF  }
0xa7: {  	s28 =	simm.s32 $_size_execute0_lowered;
	s3 =	sadd.s32 s3, s5;
	[dreg:$0x0] =	wrdreg $0x0  }
0xa8: {  	s5 =	sshll.u32 s28, $0x1;
	[dreg:$0x2] =	wrdreg s3  }
0xa9: {  	[dreg:$0x3] =	wrdreg s5  }
0xaa: {  	[dreg:$0x4] =	wrdreg $0xC0  }
0xab: {  	_ =	task [dreg:s7], $0x5FFFF  }
0xac: {  	[dreg:$0x1] =	wrdreg $0xFFFFFFFF  }
0xad: {  	[dreg:$0x0] =	wrdreg $0x60  }
0xae: {  	[dreg:$0x2] =	wrdreg s2  }
0xaf: {  	[dreg:$0x3] =	wrdreg s24  }
0xb0: {  	[dreg:$0x4] =	wrdreg $0x58800  }
0xb1: {  	[dreg:$0x5] =	wrdreg $0x9  }
0xb2: {  	_ =	task.clear_ibuf [dreg:s7], $0x6FFFF;
	_ =	strace $0x90000046  }
0xb3: {  	s29 =	simm.s32 $0x9;
	_ =	strace $0x80000048  }
0xb4: {  	_ =	swait.ge [sflag:s29], $0x1  }
0xb5: {  	[sflag:s29] =	ssyncadd.s32 $0xFFFFFFFF  }
0xb6: {  	_ =	strace $0x90000048  }
0xb7: {  	_ =	sfence  }
0xb8: {  	s30 =	sld [smem:$0x0];
	_ =	sdelay $0x2  }
0xb9: {  	s31 =	sshll.u32 s1, $0xD;
	s1 =	sshrl.u32 s1, $0x2  }
0xba: {  	s3 =	sand.u32 $0x4000, s31;
	s1 =	sadd.s32 s1, s30  }
0xbb: {  	s0 =	sor.u32 s3, s0;
	s1 =	sshll.u32 s1, $0x11  }
0xbc: {  	s0 =	sor.u32 s1, s0  }
0xbd: {  	s0 =	sadd.s32 $0x8F2B, s0  }
0xbe: {  	[sflag:s0] =	ssyncadd.remote.s32 $0x1  }
0xbf: {  	_ =	sfence.sel $0xFFFF  }
0xc0: {  	[dreg:$0x0] =	wrdreg $0xFFFFFFFF;
	(pc) =	sbr.abs _section_cstart, $3  }
0xc1: {  	[dreg:$0x1] =	wrdreg $0xFFFFFFFF  }
0xc2: {  	_ =	task.clear_ibuf [dreg:s7], $0x2FFFF;
	_ =	strace $0x9FFFFFFF  }
0xc3: {  	(tm) =	ssettm $0x7FFFFFFF  }
tec
execute0_lowered:
.L_overlay_start_1:
0x0: {  	(tag) =	ssettag $0x1  }
0x1: {  	s1 =	rddreg [dreg:$0x0]  }
0x2: {  	s0 =	rddreg [dreg:$0x1]  }
0x3: {  	s2 =	rddreg [dreg:$0x2];
	s3 =	srdreg.scid  }
0x4: {  	s4 =	simm.s32 $0x0;
	s13 =	stileid.u32;
	s28 =	simm.s32 $0x1480  }
0x5: {  	s29 =	simm.s32 $0x1;
	s30 =	simm.s32 $0x3;
	s31 =	simm.s32 $0x4480  }
0x6: {  	s14 =	simm.s32 $0x4;
	s3 =	sand.u32 $0x1, s3;
	[smem:$0x7FF] =	sst s4  }
0x7: {  	s8 =	smul.u32 $0x50, s13;
	s10 =	sshll.u32 s13, $0x7;
	s12 =	sadd.s32 $0x3600, s0  }
0x8: {  	s22 =	smul.u32 $0x2800, s13;
	s5 =	sshll.u32 s3, $0x4;
	_ =	strace $0x80000047  }
0x9: {  	s11 =	smul.u32 $0x28000, s3;
	s10 =	sand.u32 $0x380, s10;
	[dreg:$0x4] =	wrdreg s12  }
0xa: {  	s3 =	ssub.s32 $0x2, s3;
	s12 =	simm.s32 $0x0;
	s7 =	sor.u32 s13, s5  }
0xb: {  	s5 =	sadd.s32 $0x4E5200, s0;
	s17 =	sadd.s32 s8, s0;
	s21 =	sshrl.u32 s3, $0x1  }
0xc: {  	s6 =	sshrl.u32 s7, $0x3;
	s19 =	sadd.s32 s11, s0;
	s20 =	smul.u32 $0x2780, s7  }
0xd: {  	s3 =	ssub.s32 s3, s21;
	s16 =	sadd.s32 $0x3000, s17;
	s9 =	smul.u32 $0xA000, s6  }
0xe: {  	s17 =	simm.s32 $0x80;
	s11 =	simm.s32 $0x2;
	s21 =	simm.s32 $0x6  }
0xf: {  	s6 =	sadd.s32 $0xA24200, s0;
	s25 =	smax.u32 s3, $0x1;
	s18 =	sor.u32 s10, s9  }
0x10: {  	s26 =	sadd.s32 s22, s19;
	[dreg:$0xb] =	wrdreg s25;
	s8 =	sshrl.u32 s18, $0x3  }
0x11: {  	s10 =	sadd.s32 s5, s20;
	s0 =	sadd.s32 s8, s0;
	s8 =	smul.u32 $0x13C, s7  }
0x12: {  	[dreg:$0x5] =	wrdreg s10;
	s10 =	sadd.s32 $0x20, s10;
	s7 =	smul.u32 $0x27800, s7  }
0x13: {  	s19 =	simm.s32 $0xB;
	[dreg:$0x6] =	wrdreg s10;
	s0 =	sadd.s32 $0x53800, s0  }
0x14: {  	s3 =	simm.s32 $0x9;
	s7 =	sadd.s32 s6, s7;
	[dreg:$0xa] =	wrdreg s0  }
0x15: {  	s20 =	simm.s32 $0x20;
	s23 =	sor.u32 $0x1, s8;
	[dreg:$0x7] =	wrdreg s7  }
0x16: {  	s9 =	simm.s32 $0xA;
	s24 =	sadd.s32 $0x5, s8;
	[dreg:$0x8] =	wrdreg s23  }
0x17: {  	s18 =	simm.s32 $0x480;
	s0 =	sadd.s32 $0x3800, s26;
	[dreg:$0x9] =	wrdreg s24  }
0x18: {  	s10 =	simm.s32 $0x380;
	s26 =	simm.s32 $0x3480;
	[dreg:$0xc] =	wrdreg s0  }
0x19: {  	v0 =	vimm.s32 $0x0;
	v1 =	vimm.s32 $0x10000;
	s23 =	simm.s32 $0x2480;
	s24 =	simm.s32 $0x8;
	s7 =	simm.s32 $0x5  }
.LBB2_1:
0x1a: {  	[dreg:$0xd] =	wrdreg s12  }
0x1b: {  	s0 =	rddreg [dreg:$0x4]  }
0x1c: {  	[tilespmem:s18], [sflag:$0xB] =	stream.linear.gather [hbm4b:s0+s4], $0x1000, $0x38;
	[tilespmem:$0x19880] =	vst v63  }
0x1d: {  	_ =	swait.ge [sflag:s19], $0x1000  }
0x1e: {  	[sflag:s19] =	ssyncset.done $0x0  }
0x1f: {  	s25 =	sadd.s32 $0x0, s16;
	[sflag:s19] =	ssyncadd.s32 $0xFFFFF000  }
0x20: {  	[tilespmem:s4], [sflag:$0xB] =	stream.linear.gather [hbm4b:s25+s4], $0x20, $0x38;
	[tilespmem:$0x19880] =	vst v63  }
0x21: {  	_ =	swait.ge [sflag:s19], $0x20  }
0x22: {  	[sflag:s19] =	ssyncset.done $0x0  }
0x23: {  	[sflag:s19] =	ssyncadd.s32 $0xFFFFFFE0  }
0x24: {  	[spmem:s2] =	stream.indirect.scatter [tilespmem:s18], [sflag:$0xB], $0x80, s4, s20, $0xb8;
	[tilespmem:$0x19880] =	vst v63  }
0x25: {  	_ =	swait.ge [sflag:s19], $0x1000  }
0x26: {  	s13 =	sadd.s32 $0x4, s16;
	s12 =	simm.s32 $0x8;
	[sflag:s19] =	ssyncset.done $0x0  }
.LBB2_2:
0x27: {  	s15 =	sadd.s32 s12, s16;
	s0 =	simm.s32 $0x0;
	[sflag:s19] =	ssyncadd.s32 $0xFFFFF000  }
0x28: {  	[tilespmem:s0], [sflag:$0xB] =	stream.linear.gather [hbm4b:s13+s0], $0x20, $0x38;
	[tilespmem:$0x19880] =	vst v63  }
0x29: {  	p0 =	sne.s32 s12, $0x4C;
	s12 =	sadd.s32 $0x4, s12;
	_ =	swait.ge [sflag:s19], $0x20  }
.Ltmp0:
0x2a: {  	s13 =	smov.u32 s15;
	[sflag:s19] =	ssyncset.done $0x0;
	(pc) =	sbr.rel @p0 .LBB2_2-.Ltmp0, $4  }
0x2b: {  	[sflag:s19] =	ssyncadd.s32 $0xFFFFFFE0  }
0x2c: {  	[spmem:s2] =	stream.indirect.scatter [tilespmem:s18], [sflag:$0xB], $0x80, s0, s20, $0xb8;
	[tilespmem:$0x19880] =	vst v63  }
0x2d: {  	_ =	swait.ge [sflag:s19], $0x1000  }
0x2e: {  	[sflag:s19] =	ssyncset.done $0x0  }
0x2f: {  	[sflag:s19] =	ssyncadd.s32 $0xFFFFF000  }
0x30: {  	[tilespmem:s0], [sflag:$0xB] =	stream.linear.gather [hbm4b:s13+s0], $0x20, $0x38;
	[tilespmem:$0x19880] =	vst v63  }
0x31: {  	_ =	swait.ge [sflag:s19], $0x20  }
0x32: {  	p0 =	por $0x1, $0x1;
	[sflag:s19] =	ssyncset.done $0x0  }
.Ltmp1:
0x33: {  	[sflag:s19] =	ssyncadd.s32 $0xFFFFFFE0;
	(pc) =	sbr.rel @!p0 .LBB2_5-.Ltmp1, $4  }
0x34: {  	[spmem:s2] =	stream.indirect.scatter [tilespmem:s18], [sflag:$0xB], $0x80, s0, s20, $0xb8;
	[tilespmem:$0x19880] =	vst v63  }
0x35: {  	_ =	swait.ge [sflag:s19], $0x1000  }
0x36: {  	[sflag:s19] =	ssyncset.done $0x0  }
0x37: {  	s12 =	simm.s32 $0x0;
	s0 =	simm.s32 $0x40;
	[sflag:s19] =	ssyncadd.s32 $0xFFFFF000  }
.LBB2_4:
0x38: {  	p0 =	sne.s32 s0, $0x4FC0;
	[tilespmem:s12+$0x4480] =	vst v0;
	s12 =	smov.u32 s0;
	s0 =	sadd.s32 $0x40, s0  }
.Ltmp2:
0x39: {  	(pc) =	sbr.rel @p0 .LBB2_4-.Ltmp2, $2  }
0x3a: {  	_ =	sdelay $0x2  }
0x3b: {  	s12 =	sshra.s32 s12, $0x2  }
.LBB2_5:
0x3c: {  	[tilespmem:s12+$0x4480] =	vst v0  }
0x3d: {  	[bflag:$0x0] =	sbarrier.arrive $0xFFFF  }
0x3e: {  	s15 =	simm.s32 $0x0;
	s0 =	rddreg [dreg:$0x5]  }
0x3f: {  	[tilespmem:s17], [sflag:$0xB] =	stream.linear.gather [hbm4b:s0+s15], $0x100, $0x38;
	[tilespmem:$0x19880] =	vst v63  }
0x40: {  	_ =	swait.ge [sflag:s19], $0x100  }
0x41: {  	[sflag:s19] =	ssyncset.done $0x0  }
0x42: {  	s22 =	simm.s32 $0x180;
	s13 =	rddreg [dreg:$0x6];
	[sflag:s19] =	ssyncadd.s32 $0xFFFFFF00  }
0x43: {  	[tilespmem:s22], [sflag:$0x8] =	stream.linear.gather [hbm4b:s13+s15], $0x100, $0x38;
	[tilespmem:$0x19880] =	vst v63  }
0x44: {  	_ = 	snop  }
0x45: {  	[tilespmem:s18], [sflag:$0x1] =	stream.indirect.gather [hbm4b:s1+s20], $0x80, s17, s20, $0xb8;
	[tilespmem:$0x19880] =	vst v63  }
0x46: {  	s25 =	rddreg [dreg:$0x7];
	s17 =	simm.s32 $0x0  }
0x47: {  	[tilespmem:s23], [sflag:$0x3] =	stream.linear.gather [hbm4b:s25+s15], $0x1000, $0x38;
	[tilespmem:$0x19880] =	vst v63  }
.LBB2_6:
0x48: {  	_ =	swait.ge [sflag:s24], $0x100  }
0x49: {  	s0 =	simm.s32 $0x180;
	s22 =	sshll.u32 s17, $0x2;
	[sflag:s24] =	ssyncset.done $0x0  }
0x4a: {  	p0 =	seq.s32 s17, $0x0;
	s12 =	rddreg [dreg:$0x8];
	[sflag:s24] =	ssyncadd.s32 $0xFFFFFF00  }
0x4b: {  	[tilespmem:s28], [sflag:$0x2] =	stream.indirect.gather [hbm4b:s1+s20], $0x80, s0, s20, $0xb8;
	[tilespmem:$0x19880] =	vst v63  }
0x4c: {  	s12 =	sadd.s32 s22, s12;
	s0 =	simm.s32 @!p0 $0x6  }
0x4d: {  	s12 =	sshll.u32 s12, $0x9;
	_ =	swait.ge @!p0 [sflag:s0], $0x1000  }
0x4e: {  	s12 =	sand.u32 $0x1FFFFA00, s12;
	[sflag:s0] =	ssyncset.done @!p0 $0x0  }
0x4f: {  	s28 =	sadd.s32 s6, s12;
	[sflag:s0] =	ssyncadd.s32 @!p0 $0xFFFFF000;
	s0 =	sadd.s32 s22, s8  }
0x50: {  	[tilespmem:s26], [sflag:$0x4] =	stream.linear.gather [hbm4b:s28+s15], $0x1000, $0x38;
	[tilespmem:$0x19880] =	vst v63  }
0x51: {  	s12 =	sadd.s32 $0x2, s0  }
0x52: {  	s13 =	sshll.u32 s12, $0x5  }
0x53: {  	s13 =	sand.u32 $0x1FFFFFC0, s13  }
0x54: {  	s25 =	simm.s32 $0x280;
	s13 =	sadd.s32 s5, s13  }
0x55: {  	[tilespmem:s25], [sflag:$0x9] =	stream.linear.gather [hbm4b:s13+s15], $0x100, $0x38;
	[tilespmem:$0x19880] =	vst v63  }
0x56: {  	_ =	swait.ge [sflag:s29], $0x1000  }
0x57: {  	[sflag:s29] =	ssyncset.done $0x0  }
0x58: {  	[sflag:s29] =	ssyncadd.s32 $0xFFFFF000  }
0x59: {  	_ =	swait.ge [sflag:s30], $0x1000  }
0x5a: {  	[sflag:s30] =	ssyncset.done $0x0  }
0x5b: {  	s13 =	simm.s32 $0x0;
	[sflag:s30] =	ssyncadd.s32 $0xFFFFF000  }
0x5c: {  	v8 =	vld [tilespmem:s13+$0x480]  }
0x5d: {  	v13 =	vld [tilespmem:s13+$0x490]  }
0x5e: {  	v7 =	vld [tilespmem:s13+$0x4A0]  }
0x5f: {  	v6 =	vld [tilespmem:s13+$0x4B0]  }
0x60: {  	v5 =	vld [tilespmem:s13+$0x4C0]  }
0x61: {  	v4 =	vld [tilespmem:s13+$0x4D0]  }
0x62: {  	v3 =	vld [tilespmem:s13+$0x4E0]  }
0x63: {  	v2 =	vld [tilespmem:s13+$0x4F0]  }
0x64: {  	v14 =	vld [tilespmem:s13+$0x2480]  }
0x65: {  	v15 =	vld [tilespmem:s13+$0x2490]  }
0x66: {  	v12 =	vld [tilespmem:s13+$0x24A0]  }
0x67: {  	v11 =	vld [tilespmem:s13+$0x24B0]  }
0x68: {  	v10 =	vld [tilespmem:s13+$0x24C0]  }
0x69: {  	v9 =	vld [tilespmem:s13+$0x24D0];
	v14 =	vadd.f32 v14, v8  }
0x6a: {  	s25 =	simm.s32 $0x200;
	v13 =	vadd.f32 v15, v13;
	v8 =	vld [tilespmem:s13+$0x24E0]  }
.LBB2_7:
0x6b: {  	s28 =	sshra.s32 s25, $0x2;
	p0 =	sne.s32 s25, $0x3E00;
	v14 =	vmax.f32 v14, $0.0e+00;
	v7 =	vadd.f32 v12, v7;
	v12 =	vld [tilespmem:s13+$0x24F0]  }
0x6c: {  	v15 =	vld [tilespmem:s28+$0x480];
	[tilespmem:s13+$0x2480] =	vst v14;
	v13 =	vmax.f32 v13, $0.0e+00;
	v6 =	vadd.f32 v11, v6  }
0x6d: {  	v16 =	vld [tilespmem:s28+$0x490];
	[tilespmem:s13+$0x2490] =	vst v13;
	v11 =	vmax.f32 v7, $0.0e+00;
	v5 =	vadd.f32 v10, v5  }
0x6e: {  	v7 =	vld [tilespmem:s28+$0x4A0];
	[tilespmem:s13+$0x24A0] =	vst v11;
	v10 =	vmax.f32 v6, $0.0e+00;
	v4 =	vadd.f32 v9, v4  }
0x6f: {  	v6 =	vld [tilespmem:s28+$0x4B0];
	[tilespmem:s13+$0x24B0] =	vst v10;
	v9 =	vmax.f32 v5, $0.0e+00;
	v3 =	vadd.f32 v8, v3  }
0x70: {  	v5 =	vld [tilespmem:s28+$0x4C0];
	[tilespmem:s13+$0x24C0] =	vst v9;
	v8 =	vmax.f32 v4, $0.0e+00;
	v2 =	vadd.f32 v12, v2  }
0x71: {  	v4 =	vld [tilespmem:s28+$0x4D0];
	[tilespmem:s13+$0x24D0] =	vst v8;
	v8 =	vmax.f32 v3, $0.0e+00  }
0x72: {  	v3 =	vld [tilespmem:s28+$0x4E0];
	[tilespmem:s13+$0x24E0] =	vst v8;
	v8 =	vmax.f32 v2, $0.0e+00  }
0x73: {  	v2 =	vld [tilespmem:s28+$0x4F0];
	[tilespmem:s13+$0x24F0] =	vst v8;
	s13 =	smov.u32 s28  }
0x74: {  	v8 =	vld [tilespmem:s13+$0x2480]  }
0x75: {  	v13 =	vld [tilespmem:s13+$0x2490]  }
.Ltmp3:
0x76: {  	v12 =	vld [tilespmem:s13+$0x24A0];
	(pc) =	sbr.rel @p0 .LBB2_7-.Ltmp3, $4  }
0x77: {  	v11 =	vld [tilespmem:s13+$0x24B0]  }
0x78: {  	v10 =	vld [tilespmem:s13+$0x24C0]  }
0x79: {  	v14 =	vadd.f32 v8, v15;
	v9 =	vld [tilespmem:s13+$0x24D0]  }
0x7a: {  	s25 =	sadd.s32 $0x200, s25;
	v13 =	vadd.f32 v13, v16;
	v8 =	vld [tilespmem:s13+$0x24E0]  }
0x7b: {  	v14 =	vmax.f32 v14, $0.0e+00;
	v7 =	vadd.f32 v12, v7;
	v12 =	vld [tilespmem:s13+$0x24F0]  }
0x7c: {  	[tilespmem:s13+$0x2480] =	vst v14;
	v13 =	vmax.f32 v13, $0.0e+00;
	v6 =	vadd.f32 v11, v6  }
0x7d: {  	[tilespmem:s13+$0x2490] =	vst v13;
	v7 =	vmax.f32 v7, $0.0e+00;
	v5 =	vadd.f32 v10, v5  }
0x7e: {  	[tilespmem:s13+$0x24A0] =	vst v7;
	v6 =	vmax.f32 v6, $0.0e+00;
	v4 =	vadd.f32 v9, v4  }
0x7f: {  	[tilespmem:s13+$0x24B0] =	vst v6;
	v5 =	vmax.f32 v5, $0.0e+00;
	v3 =	vadd.f32 v8, v3  }
0x80: {  	[tilespmem:s13+$0x24C0] =	vst v5;
	v4 =	vmax.f32 v4, $0.0e+00;
	v2 =	vadd.f32 v12, v2  }
0x81: {  	[tilespmem:s13+$0x24D0] =	vst v4;
	v3 =	vmax.f32 v3, $0.0e+00  }
0x82: {  	[tilespmem:s13+$0x24E0] =	vst v3;
	v2 =	vmax.f32 v2, $0.0e+00  }
0x83: {  	[tilespmem:s13+$0x24F0] =	vst v2  }
0x84: {  	v2 =	vld [tilespmem:$0x100];
	_ =	sdelay $0x4  }
0x85: {  	v3 =	vshrl.u32 v2, $0x1;
	_ =	sdelay $0x1  }
0x86: {  	v2 =	vand.u32 $0x1, v2  }
0x87: {  	vm0 =	veq.s32 v2, $0x0  }
0x88: {  	v2 =	vsel vm0, $0x1, v1  }
0x89: {  	[tilespmem:v3+s31+$0x0] =	vst.idx.add.s32.msk $0xffff, v2  }
0x8a: {  	v2 =	vld [tilespmem:$0x110];
	_ =	sdelay $0x4  }
0x8b: {  	v3 =	vshrl.u32 v2, $0x1;
	_ =	sdelay $0x1  }
0x8c: {  	v2 =	vand.u32 $0x1, v2  }
0x8d: {  	vm15 =	veq.s32 v2, $0x0  }
0x8e: {  	v2 =	vsel vm15, $0x1, v1  }
0x8f: {  	s25 =	simm.s32 $0x100;
	[tilespmem:v3+s31+$0x0] =	vst.idx.add.s32.msk $0xffff, v2  }
0x90: {  	[spmem:s2] =	stream.indirect.scatter.add.f32 [tilespmem:s23], [sflag:$0x5], $0x80, s25, s20, $0xb8;
	[tilespmem:$0x19880] =	vst v63  }
0x91: {  	_ =	swait.ge [sflag:s3], $0x100  }
0x92: {  	[sflag:s3] =	ssyncset.done $0x0  }
0x93: {  	s28 =	simm.s32 $0x280;
	s12 =	sshll.u32 s12, $0x9;
	[sflag:s3] =	ssyncadd.s32 $0xFFFFFF00  }
0x94: {  	[tilespmem:s18], [sflag:$0x1] =	stream.indirect.gather [hbm4b:s1+s20], $0x80, s28, s20, $0xb8;
	[tilespmem:$0x19880] =	vst v63  }
0x95: {  	s12 =	sand.u32 $0x1FFFFC00, s12;
	_ =	swait.ge [sflag:s7], $0x1000  }
0x96: {  	s0 =	sadd.s32 $0x3, s0;
	s12 =	sadd.s32 s6, s12;
	[sflag:s7] =	ssyncset.done $0x0  }
0x97: {  	s25 =	simm.s32 $0x0;
	s28 =	sshll.u32 s0, $0x5;
	[sflag:s7] =	ssyncadd.s32 $0xFFFFF000  }
0x98: {  	[tilespmem:s23], [sflag:$0x3] =	stream.linear.gather [hbm4b:s12+s25], $0x1000, $0x38;
	[tilespmem:$0x19880] =	vst v63  }
0x99: {  	s12 =	sand.u32 $0x1FFFFFE0, s28  }
0x9a: {  	s12 =	sadd.s32 s5, s12  }
0x9b: {  	[tilespmem:s10], [sflag:$0xA] =	stream.linear.gather [hbm4b:s12+s25], $0x100, $0x38;
	[tilespmem:$0x19880] =	vst v63  }
0x9c: {  	_ =	swait.ge [sflag:s11], $0x1000  }
0x9d: {  	[sflag:s11] =	ssyncset.done $0x0  }
0x9e: {  	[sflag:s11] =	ssyncadd.s32 $0xFFFFF000  }
0x9f: {  	_ =	swait.ge [sflag:s14], $0x1000  }
0xa0: {  	[sflag:s14] =	ssyncset.done $0x0  }
0xa1: {  	s12 =	simm.s32 $0x0;
	[sflag:s14] =	ssyncadd.s32 $0xFFFFF000  }
0xa2: {  	v8 =	vld [tilespmem:s12+$0x1480]  }
0xa3: {  	v13 =	vld [tilespmem:s12+$0x1490]  }
0xa4: {  	v7 =	vld [tilespmem:s12+$0x14A0]  }
0xa5: {  	v6 =	vld [tilespmem:s12+$0x14B0]  }
0xa6: {  	v5 =	vld [tilespmem:s12+$0x14C0]  }
0xa7: {  	v4 =	vld [tilespmem:s12+$0x14D0]  }
0xa8: {  	v3 =	vld [tilespmem:s12+$0x14E0]  }
0xa9: {  	v2 =	vld [tilespmem:s12+$0x14F0]  }
0xaa: {  	v14 =	vld [tilespmem:s12+$0x3480]  }
0xab: {  	v15 =	vld [tilespmem:s12+$0x3490]  }
0xac: {  	v12 =	vld [tilespmem:s12+$0x34A0]  }
0xad: {  	v11 =	vld [tilespmem:s12+$0x34B0]  }
0xae: {  	v10 =	vld [tilespmem:s12+$0x34C0]  }
0xaf: {  	v9 =	vld [tilespmem:s12+$0x34D0];
	v14 =	vadd.f32 v14, v8  }
0xb0: {  	s13 =	simm.s32 $0x200;
	v13 =	vadd.f32 v15, v13;
	v8 =	vld [tilespmem:s12+$0x34E0]  }
.LBB2_9:
0xb1: {  	s25 =	sshra.s32 s13, $0x2;
	p0 =	sne.s32 s13, $0x3E00;
	v14 =	vmax.f32 v14, $0.0e+00;
	v7 =	vadd.f32 v12, v7;
	v12 =	vld [tilespmem:s12+$0x34F0]  }
0xb2: {  	v15 =	vld [tilespmem:s25+$0x1480];
	[tilespmem:s12+$0x3480] =	vst v14;
	v13 =	vmax.f32 v13, $0.0e+00;
	v6 =	vadd.f32 v11, v6  }
0xb3: {  	v16 =	vld [tilespmem:s25+$0x1490];
	[tilespmem:s12+$0x3490] =	vst v13;
	v11 =	vmax.f32 v7, $0.0e+00;
	v5 =	vadd.f32 v10, v5  }
0xb4: {  	v7 =	vld [tilespmem:s25+$0x14A0];
	[tilespmem:s12+$0x34A0] =	vst v11;
	v10 =	vmax.f32 v6, $0.0e+00;
	v4 =	vadd.f32 v9, v4  }
0xb5: {  	v6 =	vld [tilespmem:s25+$0x14B0];
	[tilespmem:s12+$0x34B0] =	vst v10;
	v9 =	vmax.f32 v5, $0.0e+00;
	v3 =	vadd.f32 v8, v3  }
0xb6: {  	v5 =	vld [tilespmem:s25+$0x14C0];
	[tilespmem:s12+$0x34C0] =	vst v9;
	v8 =	vmax.f32 v4, $0.0e+00;
	v2 =	vadd.f32 v12, v2  }
0xb7: {  	v4 =	vld [tilespmem:s25+$0x14D0];
	[tilespmem:s12+$0x34D0] =	vst v8;
	v8 =	vmax.f32 v3, $0.0e+00  }
0xb8: {  	v3 =	vld [tilespmem:s25+$0x14E0];
	[tilespmem:s12+$0x34E0] =	vst v8;
	v8 =	vmax.f32 v2, $0.0e+00  }
0xb9: {  	v2 =	vld [tilespmem:s25+$0x14F0];
	[tilespmem:s12+$0x34F0] =	vst v8;
	s12 =	smov.u32 s25  }
0xba: {  	v8 =	vld [tilespmem:s12+$0x3480]  }
0xbb: {  	v13 =	vld [tilespmem:s12+$0x3490]  }
.Ltmp4:
0xbc: {  	v12 =	vld [tilespmem:s12+$0x34A0];
	(pc) =	sbr.rel @p0 .LBB2_9-.Ltmp4, $4  }
0xbd: {  	v11 =	vld [tilespmem:s12+$0x34B0]  }
0xbe: {  	v10 =	vld [tilespmem:s12+$0x34C0]  }
0xbf: {  	v14 =	vadd.f32 v8, v15;
	v9 =	vld [tilespmem:s12+$0x34D0]  }
0xc0: {  	s13 =	sadd.s32 $0x200, s13;
	v13 =	vadd.f32 v13, v16;
	v8 =	vld [tilespmem:s12+$0x34E0]  }
0xc1: {  	v14 =	vmax.f32 v14, $0.0e+00;
	v7 =	vadd.f32 v12, v7;
	v12 =	vld [tilespmem:s12+$0x34F0]  }
0xc2: {  	[tilespmem:s12+$0x3480] =	vst v14;
	v13 =	vmax.f32 v13, $0.0e+00;
	v6 =	vadd.f32 v11, v6  }
0xc3: {  	[tilespmem:s12+$0x3490] =	vst v13;
	v7 =	vmax.f32 v7, $0.0e+00;
	v5 =	vadd.f32 v10, v5  }
0xc4: {  	[tilespmem:s12+$0x34A0] =	vst v7;
	v6 =	vmax.f32 v6, $0.0e+00;
	v4 =	vadd.f32 v9, v4  }
0xc5: {  	[tilespmem:s12+$0x34B0] =	vst v6;
	v5 =	vmax.f32 v5, $0.0e+00;
	v3 =	vadd.f32 v8, v3  }
0xc6: {  	[tilespmem:s12+$0x34C0] =	vst v5;
	v4 =	vmax.f32 v4, $0.0e+00;
	v2 =	vadd.f32 v12, v2  }
0xc7: {  	[tilespmem:s12+$0x34D0] =	vst v4;
	v3 =	vmax.f32 v3, $0.0e+00  }
0xc8: {  	[tilespmem:s12+$0x34E0] =	vst v3;
	v2 =	vmax.f32 v2, $0.0e+00  }
0xc9: {  	[tilespmem:s12+$0x34F0] =	vst v2  }
0xca: {  	v2 =	vld [tilespmem:$0x200];
	_ =	sdelay $0x4  }
0xcb: {  	v3 =	vshrl.u32 v2, $0x1;
	_ =	sdelay $0x1  }
0xcc: {  	v2 =	vand.u32 $0x1, v2  }
0xcd: {  	vm0 =	veq.s32 v2, $0x0  }
0xce: {  	v2 =	vsel vm0, $0x1, v1  }
0xcf: {  	[tilespmem:v3+s31+$0x0] =	vst.idx.add.s32.msk $0xffff, v2  }
0xd0: {  	v2 =	vld [tilespmem:$0x210];
	_ =	sdelay $0x4  }
0xd1: {  	v3 =	vshrl.u32 v2, $0x1;
	_ =	sdelay $0x1  }
0xd2: {  	v2 =	vand.u32 $0x1, v2  }
0xd3: {  	vm15 =	veq.s32 v2, $0x0  }
0xd4: {  	v2 =	vsel vm15, $0x1, v1  }
0xd5: {  	s25 =	simm.s32 $0x200;
	[tilespmem:v3+s31+$0x0] =	vst.idx.add.s32.msk $0xffff, v2  }
0xd6: {  	[spmem:s2] =	stream.indirect.scatter.add.f32 [tilespmem:s26], [sflag:$0x6], $0x80, s25, s20, $0xb8;
	[tilespmem:$0x19880] =	vst v63  }
0xd7: {  	_ =	swait.ge [sflag:s9], $0x100  }
0xd8: {  	[sflag:s9] =	ssyncset.done $0x0  }
0xd9: {  	s28 =	simm.s32 $0x1480;
	[sflag:s9] =	ssyncadd.s32 $0xFFFFFF00  }
0xda: {  	[tilespmem:s28], [sflag:$0x2] =	stream.indirect.gather [hbm4b:s1+s20], $0x80, s10, s20, $0xb8;
	[tilespmem:$0x19880] =	vst v63  }
0xdb: {  	s0 =	sshll.u32 s0, $0x9;
	_ =	swait.ge [sflag:s21], $0x1000  }
0xdc: {  	s0 =	sand.u32 $0x1FFFFE00, s0;
	[sflag:s21] =	ssyncset.done $0x0  }
0xdd: {  	s0 =	sadd.s32 s6, s0;
	[sflag:s21] =	ssyncadd.s32 $0xFFFFF000  }
0xde: {  	[tilespmem:s26], [sflag:$0x4] =	stream.linear.gather [hbm4b:s0+s4], $0x1000, $0x38;
	[tilespmem:$0x19880] =	vst v63  }
0xdf: {  	p0 =	seq.s32 s17, $0x4E;
	s0 =	sadd.s32 $0x4, s22  }
0xe0: {  	s12 =	sadd.s32 @!p0 s8, s0  }
0xe1: {  	s12 =	sshll.u32 @!p0 s12, $0x5  }
0xe2: {  	s12 =	sand.u32 @!p0 $0x1FFFFF80, s12  }
0xe3: {  	s13 =	simm.s32 @!p0 $0x0;
	s25 =	simm.s32 @!p0 $0x80;
	s12 =	sadd.s32 @!p0 s5, s12  }
0xe4: {  	[tilespmem:s25], [sflag:$0x7] =	stream.linear.gather @!p0 [hbm4b:s12+s13], $0x100, $0x38;
	[tilespmem:$0x19880] =	vst v63  }
0xe5: {  	_ =	swait.ge [sflag:s29], $0x1000  }
0xe6: {  	[sflag:s29] =	ssyncset.done $0x0  }
0xe7: {  	[sflag:s29] =	ssyncadd.s32 $0xFFFFF000  }
0xe8: {  	_ =	swait.ge [sflag:s30], $0x1000  }
0xe9: {  	[sflag:s30] =	ssyncset.done $0x0  }
0xea: {  	s12 =	simm.s32 $0x0;
	[sflag:s30] =	ssyncadd.s32 $0xFFFFF000  }
0xeb: {  	v8 =	vld [tilespmem:s12+$0x480]  }
0xec: {  	v13 =	vld [tilespmem:s12+$0x490]  }
0xed: {  	v7 =	vld [tilespmem:s12+$0x4A0]  }
0xee: {  	v6 =	vld [tilespmem:s12+$0x4B0]  }
0xef: {  	v5 =	vld [tilespmem:s12+$0x4C0]  }
0xf0: {  	v4 =	vld [tilespmem:s12+$0x4D0]  }
0xf1: {  	v3 =	vld [tilespmem:s12+$0x4E0]  }
0xf2: {  	v2 =	vld [tilespmem:s12+$0x4F0]  }
0xf3: {  	v14 =	vld [tilespmem:s12+$0x2480]  }
0xf4: {  	v15 =	vld [tilespmem:s12+$0x2490]  }
0xf5: {  	v12 =	vld [tilespmem:s12+$0x24A0]  }
0xf6: {  	v11 =	vld [tilespmem:s12+$0x24B0]  }
0xf7: {  	v10 =	vld [tilespmem:s12+$0x24C0]  }
0xf8: {  	v9 =	vld [tilespmem:s12+$0x24D0];
	v14 =	vadd.f32 v14, v8  }
0xf9: {  	s13 =	simm.s32 $0x200;
	v13 =	vadd.f32 v15, v13;
	v8 =	vld [tilespmem:s12+$0x24E0]  }
.LBB2_11:
0xfa: {  	s25 =	sshra.s32 s13, $0x2;
	p0 =	sne.s32 s13, $0x3E00;
	v14 =	vmax.f32 v14, $0.0e+00;
	v7 =	vadd.f32 v12, v7;
	v12 =	vld [tilespmem:s12+$0x24F0]  }
0xfb: {  	v15 =	vld [tilespmem:s25+$0x480];
	[tilespmem:s12+$0x2480] =	vst v14;
	v13 =	vmax.f32 v13, $0.0e+00;
	v6 =	vadd.f32 v11, v6  }
0xfc: {  	v16 =	vld [tilespmem:s25+$0x490];
	[tilespmem:s12+$0x2490] =	vst v13;
	v11 =	vmax.f32 v7, $0.0e+00;
	v5 =	vadd.f32 v10, v5  }
0xfd: {  	v7 =	vld [tilespmem:s25+$0x4A0];
	[tilespmem:s12+$0x24A0] =	vst v11;
	v10 =	vmax.f32 v6, $0.0e+00;
	v4 =	vadd.f32 v9, v4  }
0xfe: {  	v6 =	vld [tilespmem:s25+$0x4B0];
	[tilespmem:s12+$0x24B0] =	vst v10;
	v9 =	vmax.f32 v5, $0.0e+00;
	v3 =	vadd.f32 v8, v3  }
0xff: {  	v5 =	vld [tilespmem:s25+$0x4C0];
	[tilespmem:s12+$0x24C0] =	vst v9;
	v8 =	vmax.f32 v4, $0.0e+00;
	v2 =	vadd.f32 v12, v2  }
0x100: {  	v4 =	vld [tilespmem:s25+$0x4D0];
	[tilespmem:s12+$0x24D0] =	vst v8;
	v8 =	vmax.f32 v3, $0.0e+00  }
0x101: {  	v3 =	vld [tilespmem:s25+$0x4E0];
	[tilespmem:s12+$0x24E0] =	vst v8;
	v8 =	vmax.f32 v2, $0.0e+00  }
0x102: {  	v2 =	vld [tilespmem:s25+$0x4F0];
	[tilespmem:s12+$0x24F0] =	vst v8;
	s12 =	smov.u32 s25  }
0x103: {  	v8 =	vld [tilespmem:s12+$0x2480]  }
0x104: {  	v13 =	vld [tilespmem:s12+$0x2490]  }
.Ltmp5:
0x105: {  	v12 =	vld [tilespmem:s12+$0x24A0];
	(pc) =	sbr.rel @p0 .LBB2_11-.Ltmp5, $4  }
0x106: {  	v11 =	vld [tilespmem:s12+$0x24B0]  }
0x107: {  	v10 =	vld [tilespmem:s12+$0x24C0]  }
0x108: {  	v14 =	vadd.f32 v8, v15;
	v9 =	vld [tilespmem:s12+$0x24D0]  }
0x109: {  	s13 =	sadd.s32 $0x200, s13;
	v13 =	vadd.f32 v13, v16;
	v8 =	vld [tilespmem:s12+$0x24E0]  }
0x10a: {  	v14 =	vmax.f32 v14, $0.0e+00;
	v7 =	vadd.f32 v12, v7;
	v12 =	vld [tilespmem:s12+$0x24F0]  }
0x10b: {  	[tilespmem:s12+$0x2480] =	vst v14;
	v13 =	vmax.f32 v13, $0.0e+00;
	v6 =	vadd.f32 v11, v6  }
0x10c: {  	[tilespmem:s12+$0x2490] =	vst v13;
	v7 =	vmax.f32 v7, $0.0e+00;
	v5 =	vadd.f32 v10, v5  }
0x10d: {  	[tilespmem:s12+$0x24A0] =	vst v7;
	v6 =	vmax.f32 v6, $0.0e+00;
	v4 =	vadd.f32 v9, v4  }
0x10e: {  	[tilespmem:s12+$0x24B0] =	vst v6;
	v5 =	vmax.f32 v5, $0.0e+00;
	v3 =	vadd.f32 v8, v3  }
0x10f: {  	[tilespmem:s12+$0x24C0] =	vst v5;
	v4 =	vmax.f32 v4, $0.0e+00;
	v2 =	vadd.f32 v12, v2  }
0x110: {  	[tilespmem:s12+$0x24D0] =	vst v4;
	v3 =	vmax.f32 v3, $0.0e+00  }
0x111: {  	[tilespmem:s12+$0x24E0] =	vst v3;
	v2 =	vmax.f32 v2, $0.0e+00  }
0x112: {  	[tilespmem:s12+$0x24F0] =	vst v2  }
0x113: {  	v2 =	vld [tilespmem:$0x300];
	_ =	sdelay $0x4  }
0x114: {  	v3 =	vshrl.u32 v2, $0x1;
	_ =	sdelay $0x1  }
0x115: {  	v2 =	vand.u32 $0x1, v2  }
0x116: {  	vm0 =	veq.s32 v2, $0x0  }
0x117: {  	v2 =	vsel vm0, $0x1, v1  }
0x118: {  	[tilespmem:v3+s31+$0x0] =	vst.idx.add.s32.msk $0xffff, v2  }
0x119: {  	v2 =	vld [tilespmem:$0x310];
	_ =	sdelay $0x4  }
0x11a: {  	v3 =	vshrl.u32 v2, $0x1;
	_ =	sdelay $0x1  }
0x11b: {  	v2 =	vand.u32 $0x1, v2  }
0x11c: {  	vm15 =	veq.s32 v2, $0x0  }
0x11d: {  	p0 =	sne.s32 s17, $0x4E;
	v2 =	vsel vm15, $0x1, v1  }
0x11e: {  	s25 =	simm.s32 $0x300;
	s12 =	simm.s32 @p0 $0x7;
	[tilespmem:v3+s31+$0x0] =	vst.idx.add.s32.msk $0xffff, v2  }
0x11f: {  	[spmem:s2] =	stream.indirect.scatter.add.f32 [tilespmem:s23], [sflag:$0x5], $0x80, s25, s20, $0xb8;
	[tilespmem:$0x19880] =	vst v63  }
0x120: {  	_ =	swait.ge @p0 [sflag:s12], $0x100  }
0x121: {  	s13 =	simm.s32 @p0 $0x80;
	s0 =	sadd.s32 @p0 s8, s0;
	[sflag:s12] =	ssyncset.done @p0 $0x0  }
0x122: {  	s25 =	simm.s32 @p0 $0x480;
	[sflag:s12] =	ssyncadd.s32 @p0 $0xFFFFFF00;
	s12 =	simm.s32 @p0 $0x20  }
0x123: {  	[tilespmem:s25], [sflag:$0x1] =	stream.indirect.gather @p0 [hbm4b:s1+s12], $0x80, s13, s12, $0xb8;
	[tilespmem:$0x19880] =	vst v63  }
0x124: {  	s0 =	sshll.u32 @p0 s0, $0x9;
	s12 =	simm.s32 @p0 $0x5  }
0x125: {  	s0 =	sand.u32 @p0 $0x1FFFF800, s0;
	_ =	swait.ge @p0 [sflag:s12], $0x1000  }
0x126: {  	s0 =	sadd.s32 @p0 s6, s0;
	[sflag:s12] =	ssyncset.done @p0 $0x0  }
0x127: {  	s13 =	simm.s32 @p0 $0x2480;
	[sflag:s12] =	ssyncadd.s32 @p0 $0xFFFFF000;
	s12 =	simm.s32 @p0 $0x0  }
0x128: {  	[tilespmem:s13], [sflag:$0x3] =	stream.linear.gather @p0 [hbm4b:s0+s12], $0x1000, $0x38;
	[tilespmem:$0x19880] =	vst v63  }
0x129: {  	s0 =	rddreg [dreg:$0x9]  }
0x12a: {  	s0 =	sadd.s32 @p0 s22, s0  }
0x12b: {  	s0 =	sshll.u32 @p0 s0, $0x5  }
0x12c: {  	s0 =	sand.u32 @p0 $0x1FFFFFA0, s0  }
0x12d: {  	s13 =	simm.s32 @p0 $0x180;
	s0 =	sadd.s32 @p0 s5, s0  }
0x12e: {  	[tilespmem:s13], [sflag:$0x8] =	stream.linear.gather @p0 [hbm4b:s0+s12], $0x100, $0x38;
	[tilespmem:$0x19880] =	vst v63  }
0x12f: {  	s0 =	simm.s32 @!p0 $0x5  }
0x130: {  	_ =	swait.ge @!p0 [sflag:s0], $0x1000  }
0x131: {  	[sflag:s0] =	ssyncset.done @!p0 $0x0  }
0x132: {  	[sflag:s0] =	ssyncadd.s32 @!p0 $0xFFFFF000  }
0x133: {  	_ =	swait.ge [sflag:s11], $0x1000  }
0x134: {  	[sflag:s11] =	ssyncset.done $0x0  }
0x135: {  	[sflag:s11] =	ssyncadd.s32 $0xFFFFF000  }
0x136: {  	_ =	swait.ge [sflag:s14], $0x1000  }
0x137: {  	[sflag:s14] =	ssyncset.done $0x0  }
0x138: {  	s0 =	simm.s32 $0x0;
	[sflag:s14] =	ssyncadd.s32 $0xFFFFF000  }
0x139: {  	v8 =	vld [tilespmem:s0+$0x1480]  }
0x13a: {  	v13 =	vld [tilespmem:s0+$0x1490]  }
0x13b: {  	v7 =	vld [tilespmem:s0+$0x14A0]  }
0x13c: {  	v6 =	vld [tilespmem:s0+$0x14B0]  }
0x13d: {  	v5 =	vld [tilespmem:s0+$0x14C0]  }
0x13e: {  	v4 =	vld [tilespmem:s0+$0x14D0]  }
0x13f: {  	v3 =	vld [tilespmem:s0+$0x14E0]  }
0x140: {  	v2 =	vld [tilespmem:s0+$0x14F0]  }
0x141: {  	v14 =	vld [tilespmem:s0+$0x3480]  }
0x142: {  	v15 =	vld [tilespmem:s0+$0x3490]  }
0x143: {  	v12 =	vld [tilespmem:s0+$0x34A0]  }
0x144: {  	v11 =	vld [tilespmem:s0+$0x34B0]  }
0x145: {  	v10 =	vld [tilespmem:s0+$0x34C0]  }
0x146: {  	v9 =	vld [tilespmem:s0+$0x34D0];
	v14 =	vadd.f32 v14, v8  }
0x147: {  	s12 =	simm.s32 $0x200;
	v13 =	vadd.f32 v15, v13;
	v8 =	vld [tilespmem:s0+$0x34E0]  }
.LBB2_13:
0x148: {  	s13 =	sshra.s32 s12, $0x2;
	p0 =	sne.s32 s12, $0x3E00;
	v14 =	vmax.f32 v14, $0.0e+00;
	v7 =	vadd.f32 v12, v7;
	v12 =	vld [tilespmem:s0+$0x34F0]  }
0x149: {  	v15 =	vld [tilespmem:s13+$0x1480];
	[tilespmem:s0+$0x3480] =	vst v14;
	v13 =	vmax.f32 v13, $0.0e+00;
	v6 =	vadd.f32 v11, v6  }
0x14a: {  	v16 =	vld [tilespmem:s13+$0x1490];
	[tilespmem:s0+$0x3490] =	vst v13;
	v11 =	vmax.f32 v7, $0.0e+00;
	v5 =	vadd.f32 v10, v5  }
0x14b: {  	v7 =	vld [tilespmem:s13+$0x14A0];
	[tilespmem:s0+$0x34A0] =	vst v11;
	v10 =	vmax.f32 v6, $0.0e+00;
	v4 =	vadd.f32 v9, v4  }
0x14c: {  	v6 =	vld [tilespmem:s13+$0x14B0];
	[tilespmem:s0+$0x34B0] =	vst v10;
	v9 =	vmax.f32 v5, $0.0e+00;
	v3 =	vadd.f32 v8, v3  }
0x14d: {  	v5 =	vld [tilespmem:s13+$0x14C0];
	[tilespmem:s0+$0x34C0] =	vst v9;
	v8 =	vmax.f32 v4, $0.0e+00;
	v2 =	vadd.f32 v12, v2  }
0x14e: {  	v4 =	vld [tilespmem:s13+$0x14D0];
	[tilespmem:s0+$0x34D0] =	vst v8;
	v8 =	vmax.f32 v3, $0.0e+00  }
0x14f: {  	v3 =	vld [tilespmem:s13+$0x14E0];
	[tilespmem:s0+$0x34E0] =	vst v8;
	v8 =	vmax.f32 v2, $0.0e+00  }
0x150: {  	v2 =	vld [tilespmem:s13+$0x14F0];
	[tilespmem:s0+$0x34F0] =	vst v8;
	s0 =	smov.u32 s13  }
0x151: {  	v8 =	vld [tilespmem:s0+$0x3480]  }
0x152: {  	v13 =	vld [tilespmem:s0+$0x3490]  }
.Ltmp6:
0x153: {  	v12 =	vld [tilespmem:s0+$0x34A0];
	(pc) =	sbr.rel @p0 .LBB2_13-.Ltmp6, $4  }
0x154: {  	v11 =	vld [tilespmem:s0+$0x34B0]  }
0x155: {  	v10 =	vld [tilespmem:s0+$0x34C0]  }
0x156: {  	v14 =	vadd.f32 v8, v15;
	v9 =	vld [tilespmem:s0+$0x34D0]  }
0x157: {  	s12 =	sadd.s32 $0x200, s12;
	v13 =	vadd.f32 v13, v16;
	v8 =	vld [tilespmem:s0+$0x34E0]  }
0x158: {  	v14 =	vmax.f32 v14, $0.0e+00;
	v7 =	vadd.f32 v12, v7;
	v63 =	vld [tilespmem:s0+$0x34F0]  }
0x159: {  	[tilespmem:s0+$0x3480] =	vst v14;
	v13 =	vmax.f32 v13, $0.0e+00;
	v6 =	vadd.f32 v11, v6  }
0x15a: {  	[tilespmem:s0+$0x3490] =	vst v13;
	v7 =	vmax.f32 v7, $0.0e+00;
	v5 =	vadd.f32 v10, v5  }
0x15b: {  	[tilespmem:s0+$0x34A0] =	vst v7;
	v6 =	vmax.f32 v6, $0.0e+00;
	v4 =	vadd.f32 v9, v4  }
0x15c: {  	[tilespmem:s0+$0x34B0] =	vst v6;
	v5 =	vmax.f32 v5, $0.0e+00;
	v3 =	vadd.f32 v8, v3  }
0x15d: {  	[tilespmem:s0+$0x34C0] =	vst v5;
	v4 =	vmax.f32 v4, $0.0e+00;
	v2 =	vadd.f32 v63, v2  }
0x15e: {  	[tilespmem:s0+$0x34D0] =	vst v4;
	v3 =	vmax.f32 v3, $0.0e+00  }
0x15f: {  	[tilespmem:s0+$0x34E0] =	vst v3;
	v2 =	vmax.f32 v2, $0.0e+00  }
0x160: {  	[tilespmem:s0+$0x34F0] =	vst v2  }
0x161: {  	v2 =	vld [tilespmem:$0x400];
	_ =	sdelay $0x4  }
0x162: {  	v3 =	vshrl.u32 v2, $0x1;
	_ =	sdelay $0x1  }
0x163: {  	v2 =	vand.u32 $0x1, v2  }
0x164: {  	vm0 =	veq.s32 v2, $0x0  }
0x165: {  	v2 =	vsel vm0, $0x1, v1  }
0x166: {  	[tilespmem:v3+s31+$0x0] =	vst.idx.add.s32.msk $0xffff, v2  }
0x167: {  	v2 =	vld [tilespmem:$0x410];
	_ =	sdelay $0x4  }
0x168: {  	s17 =	sadd.s32 $0x1, s17;
	v3 =	vshrl.u32 v2, $0x1  }
0x169: {  	p0 =	sne.s32 s17, $0x4F  }
.Ltmp7:
0x16a: {  	v2 =	vand.u32 $0x1, v2;
	(pc) =	sbr.rel @p0 .LBB2_6-.Ltmp7, $4  }
0x16b: {  	vm15 =	veq.s32 v2, $0x0  }
0x16c: {  	v2 =	vsel vm15, $0x1, v1  }
0x16d: {  	s25 =	simm.s32 $0x400;
	[tilespmem:v3+s31+$0x0] =	vst.idx.add.s32.msk $0xffff, v2  }
0x16e: {  	[spmem:s2] =	stream.indirect.scatter.add.f32 [tilespmem:s26], [sflag:$0x6], $0x80, s25, s20, $0xb8;
	[tilespmem:$0x19880] =	vst v63  }
0x16f: {  	_ =	swait.ge [sflag:s21], $0x1000  }
0x170: {  	[sflag:s21] =	ssyncset.done $0x0  }
0x171: {  	[sflag:s21] =	ssyncadd.s32 $0xFFFFF000  }
0x172: {  	s0 =	sadd.s32 $0x0, s16;
	[bflag:$0x0] =	sbarrier.arrive $0xFFFF  }
0x173: {  	[tilespmem:s4], [sflag:$0xB] =	stream.linear.gather [hbm4b:s0+s4], $0x20, $0x38;
	[tilespmem:$0x19880] =	vst v63  }
0x174: {  	_ =	swait.ge [sflag:s19], $0x20  }
0x175: {  	[sflag:s19] =	ssyncset.done $0x0  }
0x176: {  	[sflag:s19] =	ssyncadd.s32 $0xFFFFFFE0  }
0x177: {  	[tilespmem:s18], [sflag:$0xB] =	stream.indirect.gather [spmem:s2], $0x80, s4, s20, $0xb8;
	[tilespmem:$0x19880] =	vst v63  }
0x178: {  	_ =	swait.ge [sflag:s19], $0x1000  }
0x179: {  	[sflag:s19] =	ssyncset.done $0x0  }
0x17a: {  	s25 =	rddreg [dreg:$0xc];
	[sflag:s19] =	ssyncadd.s32 $0xFFFFF000  }
0x17b: {  	[hbm4b:s25+s4] =	stream.linear.scatter [tilespmem:s18], [sflag:$0xB], $0x1000, $0x38;
	[tilespmem:$0x19880] =	vst v63  }
0x17c: {  	s12 =	simm.s32 $0x4;
	_ =	swait.ge [sflag:s19], $0x1000  }
0x17d: {  	s13 =	simm.s32 $0x8;
	s0 =	sadd.s32 $0x200, s25;
	[sflag:s19] =	ssyncset.done $0x0  }
.LBB2_16:
0x17e: {  	s15 =	sadd.s32 s12, s16  }
0x17f: {  	[sflag:s19] =	ssyncadd.s32 $0xFFFFF000;
	s12 =	smov.u32 s13;
	s17 =	sadd.s32 $0x4, s13  }
0x180: {  	[tilespmem:s4], [sflag:$0xB] =	stream.linear.gather [hbm4b:s15+s4], $0x20, $0x38;
	[tilespmem:$0x19880] =	vst v63  }
0x181: {  	p0 =	sne.s32 s13, $0x4C;
	_ =	swait.ge [sflag:s19], $0x20  }
0x182: {  	[sflag:s19] =	ssyncset.done $0x0  }
0x183: {  	[sflag:s19] =	ssyncadd.s32 $0xFFFFFFE0  }
0x184: {  	[tilespmem:s18], [sflag:$0xB] =	stream.indirect.gather [spmem:s2], $0x80, s4, s20, $0xb8;
	[tilespmem:$0x19880] =	vst v63  }
0x185: {  	_ =	swait.ge [sflag:s19], $0x1000  }
.Ltmp8:
0x186: {  	[sflag:s19] =	ssyncset.done $0x0;
	(pc) =	sbr.rel @p0 .LBB2_16-.Ltmp8, $4  }
0x187: {  	[sflag:s19] =	ssyncadd.s32 $0xFFFFF000  }
0x188: {  	[hbm4b:s0+s4] =	stream.linear.scatter [tilespmem:s18], [sflag:$0xB], $0x1000, $0x38;
	[tilespmem:$0x19880] =	vst v63  }
0x189: {  	_ =	swait.ge [sflag:s19], $0x1000  }
0x18a: {  	s13 =	smov.u32 s17;
	s0 =	sadd.s32 $0x200, s0;
	[sflag:s19] =	ssyncset.done $0x0  }
0x18b: {  	s12 =	sadd.s32 s12, s16;
	[sflag:s19] =	ssyncadd.s32 $0xFFFFF000  }
0x18c: {  	[tilespmem:s4], [sflag:$0xB] =	stream.linear.gather [hbm4b:s12+s4], $0x20, $0x38;
	[tilespmem:$0x19880] =	vst v63  }
0x18d: {  	_ =	swait.ge [sflag:s19], $0x20  }
0x18e: {  	[sflag:s19] =	ssyncset.done $0x0  }
0x18f: {  	[sflag:s19] =	ssyncadd.s32 $0xFFFFFFE0  }
0x190: {  	[tilespmem:s18], [sflag:$0xB] =	stream.indirect.gather [spmem:s2], $0x80, s4, s20, $0xb8;
	[tilespmem:$0x19880] =	vst v63  }
0x191: {  	_ =	swait.ge [sflag:s19], $0x1000  }
0x192: {  	[sflag:s19] =	ssyncset.done $0x0  }
0x193: {  	[sflag:s19] =	ssyncadd.s32 $0xFFFFF000  }
0x194: {  	[hbm4b:s0+s4] =	stream.linear.scatter [tilespmem:s18], [sflag:$0xB], $0x1000, $0x38;
	[tilespmem:$0x19880] =	vst v63  }
0x195: {  	_ =	swait.ge [sflag:s19], $0x1000  }
0x196: {  	s17 =	simm.s32 $0x80;
	[sflag:s19] =	ssyncset.done $0x0  }
0x197: {  	s15 =	simm.s32 $0x400;
	s13 =	rddreg [dreg:$0xa];
	[sflag:s19] =	ssyncadd.s32 $0xFFFFF000  }
0x198: {  	[hbm4b:s13+s17] =	stream.strided.scatter [tilespmem:s31], [sflag:$0xB], $0x1400, s15, s17, $0x38;
	[tilespmem:$0x19880] =	vst v63  }
0x199: {  	_ =	swait.ge [sflag:s19], $0x1400  }
0x19a: {  	s22 =	rddreg [dreg:$0xd]  }
0x19b: {  	s25 =	rddreg [dreg:$0xb];
	s12 =	sadd.s32 $0x1, s22  }
0x19c: {  	p0 =	sne.s32 s12, s25  }
.Ltmp9:
0x19d: {  	_ = 	snop;
	(pc) =	sbr.rel @p0 .LBB2_1-.Ltmp9, $3  }
0x19e: {  	_ =	sdelay $0x1  }
0x19f: {  	[sflag:s19] =	ssyncset.done $0x0  }
0x1a0: {  	[sflag:s19] =	ssyncadd.s32 $0xFFFFEC00  }
0x1a1: {  	_ =	sfence.sel $0x180000  }
0x1a2: {  	[bflag:$0x0] =	sbarrier.arrive $0xFFFF  }
0x1a3: {  	_ =	strace $0x90000047  }
0x1a4: {  	s0 =	stileid.u32;
	[bflag:$0x2] =	sbarrier.arrive $0xFFFF  }
0x1a5: {  	p0 =	sne.s32 s0, $0x0;
	s0 =	rddreg [dreg:$0x3]  }
0x1a6: {  	s0 =	sadd.s32 @!p0 $0x100000, s0  }
0x1a7: {  	[sflag:s0] =	ssyncadd.tile.s32 @!p0 $0x1;
	_ =	shalt  }
.Lfunc_end2:
_tile_overlayer_lowered:
.L_overlay_start_2:
0x1a8: {  	(tag) =	ssettag $0x2  }
0x1a9: {  	s0 =	rddreg [dreg:$0x0];
	s2 =	stileid.u32  }
0x1aa: {  	s1 =	rddreg [dreg:$0x1];
	p0 =	sne.s32 s2, $0x0  }
0x1ab: {  	s3 =	rddreg [dreg:$0x2];
	[bflag:$0x3] =	sbarrier.arrive $0xFFFF;
	s2 =	simm.s32 @!p0 $0x1C0B  }
0x1ac: {  	[timem:s3], [sflag:s2] =	dma.local @!p0 [hbm:s0], s1  }
0x1ad: {  	s0 =	simm.s32 @!p0 $0xB  }
0x1ae: {  	_ =	swait.ge @!p0 [sflag:s0], s1  }
0x1af: {  	s1 =	ssub.s32 @!p0 $0x0, s1;
	[sflag:s0] =	ssyncset.done @!p0 $0x0  }
0x1b0: {  	[sflag:s0] =	ssyncadd.s32 @!p0 s1  }
0x1b1: {  	[bflag:$0x3] =	sbarrier.arrive $0xFFFF  }
0x1b2: {  	_ =	shalt  }

</sc_bundles>
